<compile_context>
chip_gen: v7x
topology: tpu7x:2x2x1
jax: 0.10.2.dev20260603
libtpu: 0.0.44.dev20260713+nightly
codegen_flags: <defaults>
</compile_context>

<pallas_src>
import jax
import jax.numpy as jnp
from jax.experimental import pallas as pl
from jax.experimental.pallas import tpu as pltpu

HID = 1024
D2 = 2 * HID
E = 16
K = 2
BT = 4096
CHUNK = 512
N_CHUNK = BT // CHUNK
TOK_BLK = 512
N_TOK_BLK = BT // TOK_BLK
NEG_INF = float("-inf")


def _scores_kernel(x_ref, g_ref, out_ref):
    out_ref[...] = jnp.dot(x_ref[...], g_ref[...],
                           preferred_element_type=jnp.float32)


def _topk_kernel(s_ref, ti_ref, ts_ref):
    s = s_ref[...]
    iota = jax.lax.broadcasted_iota(jnp.int32, s.shape, 0)
    m1 = jnp.max(s, axis=0, keepdims=True)
    i1 = jnp.min(jnp.where(s == m1, iota, BT), axis=0, keepdims=True)
    s2 = jnp.where(iota == i1, NEG_INF, s)
    m2 = jnp.max(s2, axis=0, keepdims=True)
    i2 = jnp.min(jnp.where(s2 == m2, iota, BT), axis=0, keepdims=True)
    ti_ref[...] = jnp.concatenate([i1, i2], axis=0)
    ts_ref[...] = jnp.concatenate([m1, m2], axis=0)


def _gather_kernel(fg_ref, x_any, out_ref, sem):
    def start(j, _):
        pltpu.make_async_copy(
            x_any.at[pl.ds(fg_ref[j], 1)], out_ref.at[pl.ds(j, 1)],
            sem).start()
        return 0
    jax.lax.fori_loop(0, E * K, start, 0, unroll=True)

    def drain(j, _):
        pltpu.make_async_copy(
            x_any.at[pl.ds(fg_ref[j], 1)], out_ref.at[pl.ds(j, 1)],
            sem).wait()
        return 0
    jax.lax.fori_loop(0, E * K, drain, 0, unroll=True)


def _expert_kernel(xc_ref, w_ref, y_ref):
    e = pl.program_id(0)
    w = w_ref[...]
    yy = jnp.dot(xc_ref[...], w, preferred_element_type=jnp.float32)
    m = E * K
    a = yy[:m]
    b = yy[m:]
    lane = jax.lax.broadcasted_iota(jnp.int32, a.shape, 1)
    even = (lane % 2) == 0
    bsw = jnp.where(even, pltpu.roll(b, D2 - 1, 1), pltpu.roll(b, 1, 1))
    y = a + jnp.where(even, -bsw, bsw)
    row = jax.lax.broadcasted_iota(jnp.int32, y.shape, 0)
    own = row // K == e
    y_ref[...] = jnp.where(own, y, y_ref[...])


def _combine_kernel(fs_ref, ts_ref, yw_ref, bias_ref, out_ref, cnt_ref):
    blk = pl.program_id(0)
    tok = jax.lax.broadcasted_iota(jnp.int32, (TOK_BLK, E * K), 0) + blk * TOK_BLK
    fs_row = fs_ref[0]
    one_hot = jnp.where(tok == fs_row, 1.0, 0.0).astype(jnp.float32)
    weight_oh = one_hot * ts_ref[0]
    out_sum = jnp.dot(weight_oh, yw_ref[...],
                      preferred_element_type=jnp.float32)
    cnt = jnp.sum(one_hot, axis=1, keepdims=True)
    agg = out_sum / jnp.maximum(cnt, 1.0)
    z = agg + bias_ref[...]
    out_ref[...] = 0.5 * z * (1.0 + jax.lax.erf(z * 0.7071067811865476))
    cnt_ref[...] = cnt


@jax.jit
def kernel(x, gate_weights, experts_weight_real, act_bias):
    x_flat = x.reshape(BT, D2)

    scores = pl.pallas_call(
        _scores_kernel,
        grid=(N_CHUNK,),
        in_specs=[
            pl.BlockSpec((CHUNK, D2), lambda i: (i, 0)),
            pl.BlockSpec((D2, E), lambda i: (0, 0)),
        ],
        out_specs=pl.BlockSpec((CHUNK, E), lambda i: (i, 0)),
        out_shape=jax.ShapeDtypeStruct((BT, E), jnp.float32),
    )(x_flat, gate_weights)

    ti_t, ts_t = pl.pallas_call(
        _topk_kernel,
        out_shape=(
            jax.ShapeDtypeStruct((K, E), jnp.int32),
            jax.ShapeDtypeStruct((K, E), jnp.float32),
        ),
    )(scores)

    topk_indices = ti_t.T
    topk_scores = ts_t.T
    flat_gather = topk_indices.reshape(-1)
    flat_scatter = ti_t.reshape(-1)

    xb = pl.pallas_call(
        _gather_kernel,
        in_specs=[
            pl.BlockSpec(memory_space=pltpu.SMEM),
            pl.BlockSpec(memory_space=pl.ANY),
        ],
        out_specs=pl.BlockSpec(memory_space=pl.ANY),
        out_shape=jax.ShapeDtypeStruct((E * K, D2), jnp.float32),
        scratch_shapes=[pltpu.SemaphoreType.DMA],
    )(flat_gather, x_flat)

    xb3 = xb.reshape(E * K, HID, 2)
    xr = xb3[..., 0].astype(jnp.float16).astype(jnp.bfloat16)
    xi = xb3[..., 1].astype(jnp.float16).astype(jnp.bfloat16)
    xc = jnp.concatenate([xr, xi], axis=0)
    w_bf = experts_weight_real.astype(jnp.bfloat16).reshape(E * HID, D2)

    y_all = pl.pallas_call(
        _expert_kernel,
        grid=(E,),
        in_specs=[
            pl.BlockSpec((2 * E * K, HID), lambda e: (0, 0)),
            pl.BlockSpec((HID, D2), lambda e: (e, 0)),
        ],
        out_specs=pl.BlockSpec((E * K, D2), lambda e: (0, 0)),
        out_shape=jax.ShapeDtypeStruct((E * K, D2), jnp.float32),
    )(xc, w_bf)

    fs3 = flat_scatter.reshape(1, 1, E * K)
    ts3 = topk_scores.reshape(1, 1, E * K)
    bias2 = jnp.repeat(act_bias, 2).reshape(1, D2)

    res2d, cnt = pl.pallas_call(
        _combine_kernel,
        grid=(N_TOK_BLK,),
        in_specs=[
            pl.BlockSpec((1, 1, E * K), lambda i: (0, 0, 0)),
            pl.BlockSpec((1, 1, E * K), lambda i: (0, 0, 0)),
            pl.BlockSpec((E * K, D2), lambda i: (0, 0)),
            pl.BlockSpec((1, D2), lambda i: (0, 0)),
        ],
        out_specs=(
            pl.BlockSpec((TOK_BLK, D2), lambda i: (i, 0)),
            pl.BlockSpec((TOK_BLK, 1), lambda i: (i, 0)),
        ),
        out_shape=(
            jax.ShapeDtypeStruct((BT, D2), jnp.float32),
            jax.ShapeDtypeStruct((BT, 1), jnp.float32),
        ),
    )(fs3, ts3, y_all, bias2)

    res = res2d.reshape(BT, HID, 2)
    counts = cnt.reshape(BT, 1, 1)
    return (res, topk_indices, topk_scores, counts)

# --- scband reference (transcript-rebuilt; emitter-appended) ---
"""Pipeline reference for scband-expert-choice-mo-ematcher-61323543052359 (READ-ONLY COPY).

The authoritative reference and input builder live on the scoring server;
editing this copy changes nothing except your own understanding.
"""

import jax, jax.numpy as jnp
import numpy as np

HIDDEN_DIM = 1024
NUM_EXPERTS = 16
K_NODES = 2
B_T = 4096


def setup_inputs(seed: int = 0) -> dict:
    key = jax.random.key(seed)
    k1, k2 = jax.random.split(key, 2)
    x = jax.random.normal(k1, (B_T, HIDDEN_DIM, 2), dtype=jnp.float32)
    # gate weights: orthogonal init with gain 0.1 (matches nn.init.orthogonal_)
    g = np.linalg.qr(np.random.RandomState(0).randn(HIDDEN_DIM * 2, NUM_EXPERTS).astype(np.float64))[0] * 0.1
    gate_weights = jnp.asarray(g, dtype=jnp.float32)
    # ComplexKaimingInitializer: magnitude ~ |N(0,1)| * gain/sqrt(fan_in), uniform phase; stored as fp16
    fan_in = HIDDEN_DIM
    kp, km = jax.random.split(k2)
    phase = jax.random.uniform(kp, (NUM_EXPERTS, HIDDEN_DIM, HIDDEN_DIM), minval=0.0, maxval=2.0 * np.pi)
    mag = jnp.abs(jax.random.normal(km, (NUM_EXPERTS, HIDDEN_DIM, HIDDEN_DIM))) * (1.0 / np.sqrt(fan_in))
    experts_weight_real = jnp.stack([mag * jnp.cos(phase), mag * jnp.sin(phase)], axis=-1).astype(jnp.float16)
    act_bias = jnp.zeros((HIDDEN_DIM,), dtype=jnp.float32)
    return {"x": x, "gate_weights": gate_weights, "experts_weight_real": experts_weight_real, "act_bias": act_bias}


def reference(x, gate_weights, experts_weight_real, act_bias):
    B_T_, D, _ = x.shape
    E = gate_weights.shape[1]
    k_nodes = min(B_T_, K_NODES)
    # --- get_indices ---
    x_gate = x.reshape(B_T_, D * 2).astype(gate_weights.dtype)
    scores = jnp.matmul(x_gate, gate_weights)
    scores = jnp.nan_to_num(scores, nan=0.0)
    # torch.topk(scores, k, dim=0) then .T -> [E, k]; equivalent to top_k over tokens per expert
    topk_scores, topk_indices = jax.lax.top_k(scores.T, k_nodes)  # [E, k]
    # --- forward gather (expert-major order) ---
    flat_gather = topk_indices.reshape(-1)
    x_batched = jnp.take(x, flat_gather, axis=0).reshape(E, k_nodes, D, 2)
    # --- compute (half-precision expert matmuls; no cache_weights path) ---
    flat_scatter = topk_indices.T.reshape(-1)  # faithful: compute() re-flattens via .T
    xr = x_batched[..., 0].astype(jnp.float16)
    xi = x_batched[..., 1].astype(jnp.float16)
    wr = experts_weight_real[..., 0]
    wi = experts_weight_real[..., 1]
    yr = jnp.matmul(xr, wr).astype(jnp.float32) - jnp.matmul(xi, wi).astype(jnp.float32)
    yi = jnp.matmul(xr, wi).astype(jnp.float32) + jnp.matmul(xi, wr).astype(jnp.float32)
    y_all = jnp.stack([yr, yi], axis=-1)  # [E, k, D, 2]
    y_all = jnp.nan_to_num(y_all, nan=0.0)
    w = topk_scores.reshape(E, k_nodes, 1, 1).astype(y_all.dtype)
    y_weighted = (y_all * w).reshape(E * k_nodes, D, 2)
    out_buf = jnp.zeros((B_T_, D, 2), dtype=jnp.float32).at[flat_scatter].add(y_weighted.astype(jnp.float32))
    counts = jnp.zeros((B_T_, 1, 1), dtype=jnp.float32).at[flat_scatter].add(jnp.ones((E * k_nodes, 1, 1), dtype=jnp.float32))
    agg = out_buf / jnp.clip(counts, 1.0, None)
    # ComplexGELU (exact erf-based GELU, matching F.gelu default)
    res = jnp.stack([
        jax.nn.gelu(agg[..., 0] + act_bias, approximate=False),
        jax.nn.gelu(agg[..., 1] + act_bias, approximate=False),
    ], axis=-1)
    res = res.astype(x.dtype)
    return (res, topk_indices, topk_scores, counts)

if __name__ == "__main__":
    import jax
    _d = setup_inputs()
    print(jax.jit(kernel)(*tuple(_d.values())))

</pallas_src>

<mosaic_0001>
module attributes {stable_mosaic.version = 14 : i64} {
  func.func @_scores_kernel(%arg0: i32, %arg1: memref<512x2048xf32, #tpu.memory_space<vmem>>, %arg2: memref<2048x16xf32, #tpu.memory_space<vmem>>, %arg3: memref<512x16xf32, #tpu.memory_space<vmem>>) attributes {dimension_semantics = [#tpu.dimension_semantics<arbitrary>], iteration_bounds = array<i64: 8>, scalar_prefetch = 0 : i64, scratch_operands = 0 : i64, tpu.core_type = #tpu.core_type<tc>, window_params = [{transform_indices = @transform_0, window_bounds = array<i64: 512, 2048>}, {pipeline_mode = #tpu.pipeline_mode<synchronous>, transform_indices = @transform_1, window_bounds = array<i64: 2048, 16>}, {transform_indices = @transform_2, window_bounds = array<i64: 512, 16>}]} {
    %get3A = arith.constant 0 : index
    %get3A_0 = arith.constant 0 : index
    %get3A_1 = vector.load %arg1[%get3A, %get3A_0] : memref<512x2048xf32, #tpu.memory_space<vmem>>, vector<512x2048xf32>
    %get3A_2 = arith.constant 0 : index
    %get3A_3 = arith.constant 0 : index
    %get3A_4 = vector.load %arg2[%get3A_2, %get3A_3] : memref<2048x16xf32, #tpu.memory_space<vmem>>, vector<2048x16xf32>
    %dot_general3A = arith.constant dense<0.000000e+00> : vector<512x16xf32>
    %dot_general3A_5 = tpu.matmul %get3A_1, %get3A_4, %dot_general3A {dimension_numbers = #tpu.dot_dimension_numbers<[1], [0], [0], [1], [0, 0, 1, 1], [], []>, transpose_lhs_hint = false} : vector<512x2048xf32>, vector<2048x16xf32>, vector<512x16xf32> -> vector<512x16xf32>
    %swap3A = arith.constant 0 : index
    %swap3A_6 = arith.constant 0 : index
    %swap3A_7 = vector.load %arg3[%swap3A, %swap3A_6] : memref<512x16xf32, #tpu.memory_space<vmem>>, vector<512x16xf32>
    tpu.vector_store %arg3[%swap3A, %swap3A_6], %dot_general3A_5 {strides = array<i32>} : memref<512x16xf32, #tpu.memory_space<vmem>>, vector<512x16xf32>,
    return
  }
  func.func @transform_0(%arg0: i32) -> (i32, i32) {
    %c0_i32 = arith.constant 0 : i32
    %c0_i32_0 = arith.constant 0 : i32
    return %arg0, %c0_i32 : i32, i32
  }
  func.func @transform_1(%arg0: i32) -> (i32, i32) {
    %c0_i32 = arith.constant 0 : i32
    %c0_i32_0 = arith.constant 0 : i32
    %c0_i32_1 = arith.constant 0 : i32
    return %c0_i32, %c0_i32_0 : i32, i32
  }
  func.func @transform_2(%arg0: i32) -> (i32, i32) {
    %c0_i32 = arith.constant 0 : i32
    %c0_i32_0 = arith.constant 0 : i32
    return %arg0, %c0_i32 : i32, i32
  }
}

module attributes {stable_mosaic.version = 14 : i64} {
  func.func @_topk_kernel(%arg0: memref<4096x16xf32, #tpu.memory_space<vmem>>, %arg1: memref<2x16xi32, #tpu.memory_space<vmem>>, %arg2: memref<2x16xf32, #tpu.memory_space<vmem>>) attributes {dimension_semantics = [], scalar_prefetch = 0 : i64, scratch_operands = 0 : i64, tpu.core_type = #tpu.core_type<tc>} {
    %get3A = arith.constant 0 : index
    %get3A_0 = arith.constant 0 : index
    %get3A_1 = vector.load %arg0[%get3A, %get3A_0] : memref<4096x16xf32, #tpu.memory_space<vmem>>, vector<4096x16xf32>
    %iota3A = tpu.iota {dimensions = array<i32: 0>} : vector<4096x16xi32>
    %reduce_max3A = arith.constant dense<0xFF800000> : vector<16xf32>
    %reduce_max3A_2 = vector.multi_reduction <maximumf>, %get3A_1, %reduce_max3A [0] : vector<4096x16xf32> to vector<16xf32>
    %broadcast_in_dim3A = vector.shape_cast %reduce_max3A_2 : vector<16xf32> to vector<1x16xf32>
    %eq3A = vector.broadcast %broadcast_in_dim3A : vector<1x16xf32> to vector<4096x16xf32>
    %eq3A_3 = arith.cmpf oeq, %get3A_1, %eq3A : vector<4096x16xf32>
    %jit3A = arith.constant 4096 : i32
    %broadcast_in_dim3A_4 = vector.broadcast %jit3A : i32 to vector<4096x16xi32>
    %select_n3A = arith.select %eq3A_3, %iota3A, %broadcast_in_dim3A_4 : vector<4096x16xi1>, vector<4096x16xi32>
    %reduce_min3A = arith.constant dense<2147483647> : vector<16xi32>
    %reduce_min3A_5 = vector.multi_reduction <minsi>, %select_n3A, %reduce_min3A [0] : vector<4096x16xi32> to vector<16xi32>
    %broadcast_in_dim3A_6 = vector.shape_cast %reduce_min3A_5 : vector<16xi32> to vector<1x16xi32>
    %eq3A_7 = vector.broadcast %broadcast_in_dim3A_6 : vector<1x16xi32> to vector<4096x16xi32>
    %eq3A_8 = arith.cmpi eq, %iota3A, %eq3A_7 : vector<4096x16xi32>
    %jit3A_9 = arith.constant 0xFF800000 : f32
    %broadcast_in_dim3A_10 = vector.broadcast %jit3A_9 : f32 to vector<4096x16xf32>
    %select_n3A_11 = arith.select %eq3A_8, %broadcast_in_dim3A_10, %get3A_1 : vector<4096x16xi1>, vector<4096x16xf32>
    %reduce_max3A_12 = arith.constant dense<0xFF800000> : vector<16xf32>
    %reduce_max3A_13 = vector.multi_reduction <maximumf>, %select_n3A_11, %reduce_max3A_12 [0] : vector<4096x16xf32> to vector<16xf32>
    %broadcast_in_dim3A_14 = vector.shape_cast %reduce_max3A_13 : vector<16xf32> to vector<1x16xf32>
    %eq3A_15 = vector.broadcast %broadcast_in_dim3A_14 : vector<1x16xf32> to vector<4096x16xf32>
    %eq3A_16 = arith.cmpf oeq, %select_n3A_11, %eq3A_15 : vector<4096x16xf32>
    %jit3A_17 = arith.constant 4096 : i32
    %broadcast_in_dim3A_18 = vector.broadcast %jit3A_17 : i32 to vector<4096x16xi32>
    %select_n3A_19 = arith.select %eq3A_16, %iota3A, %broadcast_in_dim3A_18 : vector<4096x16xi1>, vector<4096x16xi32>
    %reduce_min3A_20 = arith.constant dense<2147483647> : vector<16xi32>
    %reduce_min3A_21 = vector.multi_reduction <minsi>, %select_n3A_19, %reduce_min3A_20 [0] : vector<4096x16xi32> to vector<16xi32>
    %broadcast_in_dim3A_22 = vector.shape_cast %reduce_min3A_21 : vector<16xi32> to vector<1x16xi32>
    %concatenate3A = tpu.concatenate %broadcast_in_dim3A_6, %broadcast_in_dim3A_22 in 0 : vector<1x16xi32>, vector<1x16xi32> -> vector<2x16xi32>
    %swap3A = arith.constant 0 : index
    %swap3A_23 = arith.constant 0 : index
    %swap3A_24 = vector.load %arg1[%swap3A, %swap3A_23] : memref<2x16xi32, #tpu.memory_space<vmem>>, vector<2x16xi32>
    tpu.vector_store %arg1[%swap3A, %swap3A_23], %concatenate3A {strides = array<i32>} : memref<2x16xi32, #tpu.memory_space<vmem>>, vector<2x16xi32>,
    %concatenate3A_25 = tpu.concatenate %broadcast_in_dim3A, %broadcast_in_dim3A_14 in 0 : vector<1x16xf32>, vector<1x16xf32> -> vector<2x16xf32>
    %swap3A_26 = arith.constant 0 : index
    %swap3A_27 = arith.constant 0 : index
    %swap3A_28 = vector.load %arg2[%swap3A_26, %swap3A_27] : memref<2x16xf32, #tpu.memory_space<vmem>>, vector<2x16xf32>
    tpu.vector_store %arg2[%swap3A_26, %swap3A_27], %concatenate3A_25 {strides = array<i32>} : memref<2x16xf32, #tpu.memory_space<vmem>>, vector<2x16xf32>,
    return
  }
}

module attributes {stable_mosaic.version = 14 : i64} {
  func.func @_gather_kernel(%arg0: memref<32xi32, #tpu.memory_space<smem>>, %arg1: memref<4096x2048xf32, #tpu.memory_space<any>>, %arg2: memref<32x2048xf32, #tpu.memory_space<any>>, %arg3: memref<!tpu.dma_semaphore, #tpu.memory_space<semaphore_mem>>) attributes {dimension_semantics = [], scalar_prefetch = 0 : i64, scratch_operands = 1 : i64, tpu.core_type = #tpu.core_type<tc>} {
    %scan3A = arith.constant 0 : i32
    %get3A = arith.index_cast %scan3A : i32 to index
    %get3A_0 = memref.load %arg0[%get3A] : memref<32xi32, #tpu.memory_space<smem>>
    %dma_start3A = arith.constant 0 : i32
    %dma_start3A_1 = tpu.memref_slice %arg2[%scan3A, %dma_start3A] : memref<32x2048xf32, #tpu.memory_space<any>> -> memref<1x2048xf32, #tpu.memory_space<any>>
    %dma_start3A_2 = arith.constant 0 : i32
    %dma_start3A_3 = tpu.memref_slice %arg1[%get3A_0, %dma_start3A_2] : memref<4096x2048xf32, #tpu.memory_space<any>> -> memref<1x2048xf32, #tpu.memory_space<any>>
    tpu.enqueue_dma source(%dma_start3A_3 : memref<1x2048xf32, #tpu.memory_space<any>>) target(%dma_start3A_1 : memref<1x2048xf32, #tpu.memory_space<any>>) target_semaphore(%arg3 : memref<!tpu.dma_semaphore, #tpu.memory_space<semaphore_mem>>)
    %scan3A_4 = arith.constant 1 : i32
    %get3A_5 = arith.index_cast %scan3A_4 : i32 to index
    %get3A_6 = memref.load %arg0[%get3A_5] : memref<32xi32, #tpu.memory_space<smem>>
    %dma_start3A_7 = arith.constant 0 : i32
    %dma_start3A_8 = tpu.memref_slice %arg2[%scan3A_4, %dma_start3A_7] : memref<32x2048xf32, #tpu.memory_space<any>> -> memref<1x2048xf32, #tpu.memory_space<any>>
    %dma_start3A_9 = arith.constant 0 : i32
    %dma_start3A_10 = tpu.memref_slice %arg1[%get3A_6, %dma_start3A_9] : memref<4096x2048xf32, #tpu.memory_space<any>> -> memref<1x2048xf32, #tpu.memory_space<any>>
    tpu.enqueue_dma source(%dma_start3A_10 : memref<1x2048xf32, #tpu.memory_space<any>>) target(%dma_start3A_8 : memref<1x2048xf32, #tpu.memory_space<any>>) target_semaphore(%arg3 : memref<!tpu.dma_semaphore, #tpu.memory_space<semaphore_mem>>)
    %scan3A_11 = arith.constant 2 : i32
    %get3A_12 = arith.index_cast %scan3A_11 : i32 to index
    %get3A_13 = memref.load %arg0[%get3A_12] : memref<32xi32, #tpu.memory_space<smem>>
    %dma_start3A_14 = arith.constant 0 : i32
    %dma_start3A_15 = tpu.memref_slice %arg2[%scan3A_11, %dma_start3A_14] : memref<32x2048xf32, #tpu.memory_space<any>> -> memref<1x2048xf32, #tpu.memory_space<any>>
    %dma_start3A_16 = arith.constant 0 : i32
    %dma_start3A_17 = tpu.memref_slice %arg1[%get3A_13, %dma_start3A_16] : memref<4096x2048xf32, #tpu.memory_space<any>> -> memref<1x2048xf32, #tpu.memory_space<any>>
    tpu.enqueue_dma source(%dma_start3A_17 : memref<1x2048xf32, #tpu.memory_space<any>>) target(%dma_start3A_15 : memref<1x2048xf32, #tpu.memory_space<any>>) target_semaphore(%arg3 : memref<!tpu.dma_semaphore, #tpu.memory_space<semaphore_mem>>)
    %scan3A_18 = arith.constant 3 : i32
    %get3A_19 = arith.index_cast %scan3A_18 : i32 to index
    %get3A_20 = memref.load %arg0[%get3A_19] : memref<32xi32, #tpu.memory_space<smem>>
    %dma_start3A_21 = arith.constant 0 : i32
    %dma_start3A_22 = tpu.memref_slice %arg2[%scan3A_18, %dma_start3A_21] : memref<32x2048xf32, #tpu.memory_space<any>> -> memref<1x2048xf32, #tpu.memory_space<any>>
    %dma_start3A_23 = arith.constant 0 : i32
    %dma_start3A_24 = tpu.memref_slice %arg1[%get3A_20, %dma_start3A_23] : memref<4096x2048xf32, #tpu.memory_space<any>> -> memref<1x2048xf32, #tpu.memory_space<any>>
    tpu.enqueue_dma source(%dma_start3A_24 : memref<1x2048xf32, #tpu.memory_space<any>>) target(%dma_start3A_22 : memref<1x2048xf32, #tpu.memory_space<any>>) target_semaphore(%arg3 : memref<!tpu.dma_semaphore, #tpu.memory_space<semaphore_mem>>)
    %scan3A_25 = arith.constant 4 : i32
    %get3A_26 = arith.index_cast %scan3A_25 : i32 to index
    %get3A_27 = memref.load %arg0[%get3A_26] : memref<32xi32, #tpu.memory_space<smem>>
    %dma_start3A_28 = arith.constant 0 : i32
    %dma_start3A_29 = tpu.memref_slice %arg2[%scan3A_25, %dma_start3A_28] : memref<32x2048xf32, #tpu.memory_space<any>> -> memref<1x2048xf32, #tpu.memory_space<any>>
    %dma_start3A_30 = arith.constant 0 : i32
    %dma_start3A_31 = tpu.memref_slice %arg1[%get3A_27, %dma_start3A_30] : memref<4096x2048xf32, #tpu.memory_space<any>> -> memref<1x2048xf32, #tpu.memory_space<any>>
    tpu.enqueue_dma source(%dma_start3A_31 : memref<1x2048xf32, #tpu.memory_space<any>>) target(%dma_start3A_29 : memref<1x2048xf32, #tpu.memory_space<any>>) target_semaphore(%arg3 : memref<!tpu.dma_semaphore, #tpu.memory_space<semaphore_mem>>)
    %scan3A_32 = arith.constant 5 : i32
    %get3A_33 = arith.index_cast %scan3A_32 : i32 to index
    %get3A_34 = memref.load %arg0[%get3A_33] : memref<32xi32, #tpu.memory_space<smem>>
    %dma_start3A_35 = arith.constant 0 : i32
    %dma_start3A_36 = tpu.memref_slice %arg2[%scan3A_32, %dma_start3A_35] : memref<32x2048xf32, #tpu.memory_space<any>> -> memref<1x2048xf32, #tpu.memory_space<any>>
    %dma_start3A_37 = arith.constant 0 : i32
    %dma_start3A_38 = tpu.memref_slice %arg1[%get3A_34, %dma_start3A_37] : memref<4096x2048xf32, #tpu.memory_space<any>> -> memref<1x2048xf32, #tpu.memory_space<any>>
    tpu.enqueue_dma source(%dma_start3A_38 : memref<1x2048xf32, #tpu.memory_space<any>>) target(%dma_start3A_36 : memref<1x2048xf32, #tpu.memory_space<any>>) target_semaphore(%arg3 : memref<!tpu.dma_semaphore, #tpu.memory_space<semaphore_mem>>)
    %scan3A_39 = arith.constant 6 : i32
    %get3A_40 = arith.index_cast %scan3A_39 : i32 to index
    %get3A_41 = memref.load %arg0[%get3A_40] : memref<32xi32, #tpu.memory_space<smem>>
    %dma_start3A_42 = arith.constant 0 : i32
    %dma_start3A_43 = tpu.memref_slice %arg2[%scan3A_39, %dma_start3A_42] : memref<32x2048xf32, #tpu.memory_space<any>> -> memref<1x2048xf32, #tpu.memory_space<any>>
    %dma_start3A_44 = arith.constant 0 : i32
    %dma_start3A_45 = tpu.memref_slice %arg1[%get3A_41, %dma_start3A_44] : memref<4096x2048xf32, #tpu.memory_space<any>> -> memref<1x2048xf32, #tpu.memory_space<any>>
    tpu.enqueue_dma source(%dma_start3A_45 : memref<1x2048xf32, #tpu.memory_space<any>>) target(%dma_start3A_43 : memref<1x2048xf32, #tpu.memory_space<any>>) target_semaphore(%arg3 : memref<!tpu.dma_semaphore, #tpu.memory_space<semaphore_mem>>)
    %scan3A_46 = arith.constant 7 : i32
    %get3A_47 = arith.index_cast %scan3A_46 : i32 to index
    %get3A_48 = memref.load %arg0[%get3A_47] : memref<32xi32, #tpu.memory_space<smem>>
    %dma_start3A_49 = arith.constant 0 : i32
    %dma_start3A_50 = tpu.memref_slice %arg2[%scan3A_46, %dma_start3A_49] : memref<32x2048xf32, #tpu.memory_space<any>> -> memref<1x2048xf32, #tpu.memory_space<any>>
    %dma_start3A_51 = arith.constant 0 : i32
    %dma_start3A_52 = tpu.memref_slice %arg1[%get3A_48, %dma_start3A_51] : memref<4096x2048xf32, #tpu.memory_space<any>> -> memref<1x2048xf32, #tpu.memory_space<any>>
    tpu.enqueue_dma source(%dma_start3A_52 : memref<1x2048xf32, #tpu.memory_space<any>>) target(%dma_start3A_50 : memref<1x2048xf32, #tpu.memory_space<any>>) target_semaphore(%arg3 : memref<!tpu.dma_semaphore, #tpu.memory_space<semaphore_mem>>)
    %scan3A_53 = arith.constant 8 : i32
    %get3A_54 = arith.index_cast %scan3A_53 : i32 to index
    %get3A_55 = memref.load %arg0[%get3A_54] : memref<32xi32, #tpu.memory_space<smem>>
    %dma_start3A_56 = arith.constant 0 : i32
    %dma_start3A_57 = tpu.memref_slice %arg2[%scan3A_53, %dma_start3A_56] : memref<32x2048xf32, #tpu.memory_space<any>> -> memref<1x2048xf32, #tpu.memory_space<any>>
    %dma_start3A_58 = arith.constant 0 : i32
    %dma_start3A_59 = tpu.memref_slice %arg1[%get3A_55, %dma_start3A_58] : memref<4096x2048xf32, #tpu.memory_space<any>> -> memref<1x2048xf32, #tpu.memory_space<any>>
    tpu.enqueue_dma source(%dma_start3A_59 : memref<1x2048xf32, #tpu.memory_space<any>>) target(%dma_start3A_57 : memref<1x2048xf32, #tpu.memory_space<any>>) target_semaphore(%arg3 : memref<!tpu.dma_semaphore, #tpu.memory_space<semaphore_mem>>)
    %scan3A_60 = arith.constant 9 : i32
    %get3A_61 = arith.index_cast %scan3A_60 : i32 to index
    %get3A_62 = memref.load %arg0[%get3A_61] : memref<32xi32, #tpu.memory_space<smem>>
    %dma_start3A_63 = arith.constant 0 : i32
    %dma_start3A_64 = tpu.memref_slice %arg2[%scan3A_60, %dma_start3A_63] : memref<32x2048xf32, #tpu.memory_space<any>> -> memref<1x2048xf32, #tpu.memory_space<any>>
    %dma_start3A_65 = arith.constant 0 : i32
    %dma_start3A_66 = tpu.memref_slice %arg1[%get3A_62, %dma_start3A_65] : memref<4096x2048xf32, #tpu.memory_space<any>> -> memref<1x2048xf32, #tpu.memory_space<any>>
    tpu.enqueue_dma source(%dma_start3A_66 : memref<1x2048xf32, #tpu.memory_space<any>>) target(%dma_start3A_64 : memref<1x2048xf32, #tpu.memory_space<any>>) target_semaphore(%arg3 : memref<!tpu.dma_semaphore, #tpu.memory_space<semaphore_mem>>)
    %scan3A_67 = arith.constant 10 : i32
    %get3A_68 = arith.index_cast %scan3A_67 : i32 to index
    %get3A_69 = memref.load %arg0[%get3A_68] : memref<32xi32, #tpu.memory_space<smem>>
    %dma_start3A_70 = arith.constant 0 : i32
    %dma_start3A_71 = tpu.memref_slice %arg2[%scan3A_67, %dma_start3A_70] : memref<32x2048xf32, #tpu.memory_space<any>> -> memref<1x2048xf32, #tpu.memory_space<any>>
    %dma_start3A_72 = arith.constant 0 : i32
    %dma_start3A_73 = tpu.memref_slice %arg1[%get3A_69, %dma_start3A_72] : memref<4096x2048xf32, #tpu.memory_space<any>> -> memref<1x2048xf32, #tpu.memory_space<any>>
    tpu.enqueue_dma source(%dma_start3A_73 : memref<1x2048xf32, #tpu.memory_space<any>>) target(%dma_start3A_71 : memref<1x2048xf32, #tpu.memory_space<any>>) target_semaphore(%arg3 : memref<!tpu.dma_semaphore, #tpu.memory_space<semaphore_mem>>)
    %scan3A_74 = arith.constant 11 : i32
    %get3A_75 = arith.index_cast %scan3A_74 : i32 to index
    %get3A_76 = memref.load %arg0[%get3A_75] : memref<32xi32, #tpu.memory_space<smem>>
    %dma_start3A_77 = arith.constant 0 : i32
    %dma_start3A_78 = tpu.memref_slice %arg2[%scan3A_74, %dma_start3A_77] : memref<32x2048xf32, #tpu.memory_space<any>> -> memref<1x2048xf32, #tpu.memory_space<any>>
    %dma_start3A_79 = arith.constant 0 : i32
    %dma_start3A_80 = tpu.memref_slice %arg1[%get3A_76, %dma_start3A_79] : memref<4096x2048xf32, #tpu.memory_space<any>> -> memref<1x2048xf32, #tpu.memory_space<any>>
    tpu.enqueue_dma source(%dma_start3A_80 : memref<1x2048xf32, #tpu.memory_space<any>>) target(%dma_start3A_78 : memref<1x2048xf32, #tpu.memory_space<any>>) target_semaphore(%arg3 : memref<!tpu.dma_semaphore, #tpu.memory_space<semaphore_mem>>)
    %scan3A_81 = arith.constant 12 : i32
    %get3A_82 = arith.index_cast %scan3A_81 : i32 to index
    %get3A_83 = memref.load %arg0[%get3A_82] : memref<32xi32, #tpu.memory_space<smem>>
    %dma_start3A_84 = arith.constant 0 : i32
    %dma_start3A_85 = tpu.memref_slice %arg2[%scan3A_81, %dma_start3A_84] : memref<32x2048xf32, #tpu.memory_space<any>> -> memref<1x2048xf32, #tpu.memory_space<any>>
    %dma_start3A_86 = arith.constant 0 : i32
    %dma_start3A_87 = tpu.memref_slice %arg1[%get3A_83, %dma_start3A_86] : memref<4096x2048xf32, #tpu.memory_space<any>> -> memref<1x2048xf32, #tpu.memory_space<any>>
    tpu.enqueue_dma source(%dma_start3A_87 : memref<1x2048xf32, #tpu.memory_space<any>>) target(%dma_start3A_85 : memref<1x2048xf32, #tpu.memory_space<any>>) target_semaphore(%arg3 : memref<!tpu.dma_semaphore, #tpu.memory_space<semaphore_mem>>)
    %scan3A_88 = arith.constant 13 : i32
    %get3A_89 = arith.index_cast %scan3A_88 : i32 to index
    %get3A_90 = memref.load %arg0[%get3A_89] : memref<32xi32, #tpu.memory_space<smem>>
    %dma_start3A_91 = arith.constant 0 : i32
    %dma_start3A_92 = tpu.memref_slice %arg2[%scan3A_88, %dma_start3A_91] : memref<32x2048xf32, #tpu.memory_space<any>> -> memref<1x2048xf32, #tpu.memory_space<any>>
    %dma_start3A_93 = arith.constant 0 : i32
    %dma_start3A_94 = tpu.memref_slice %arg1[%get3A_90, %dma_start3A_93] : memref<4096x2048xf32, #tpu.memory_space<any>> -> memref<1x2048xf32, #tpu.memory_space<any>>
    tpu.enqueue_dma source(%dma_start3A_94 : memref<1x2048xf32, #tpu.memory_space<any>>) target(%dma_start3A_92 : memref<1x2048xf32, #tpu.memory_space<any>>) target_semaphore(%arg3 : memref<!tpu.dma_semaphore, #tpu.memory_space<semaphore_mem>>)
    %scan3A_95 = arith.constant 14 : i32
    %get3A_96 = arith.index_cast %scan3A_95 : i32 to index
    %get3A_97 = memref.load %arg0[%get3A_96] : memref<32xi32, #tpu.memory_space<smem>>
    %dma_start3A_98 = arith.constant 0 : i32
    %dma_start3A_99 = tpu.memref_slice %arg2[%scan3A_95, %dma_start3A_98] : memref<32x2048xf32, #tpu.memory_space<any>> -> memref<1x2048xf32, #tpu.memory_space<any>>
    %dma_start3A_100 = arith.constant 0 : i32
    %dma_start3A_101 = tpu.memref_slice %arg1[%get3A_97, %dma_start3A_100] : memref<4096x2048xf32, #tpu.memory_space<any>> -> memref<1x2048xf32, #tpu.memory_space<any>>
    tpu.enqueue_dma source(%dma_start3A_101 : memref<1x2048xf32, #tpu.memory_space<any>>) target(%dma_start3A_99 : memref<1x2048xf32, #tpu.memory_space<any>>) target_semaphore(%arg3 : memref<!tpu.dma_semaphore, #tpu.memory_space<semaphore_mem>>)
    %scan3A_102 = arith.constant 15 : i32
    %get3A_103 = arith.index_cast %scan3A_102 : i32 to index
    %get3A_104 = memref.load %arg0[%get3A_103] : memref<32xi32, #tpu.memory_space<smem>>
    %dma_start3A_105 = arith.constant 0 : i32
    %dma_start3A_106 = tpu.memref_slice %arg2[%scan3A_102, %dma_start3A_105] : memref<32x2048xf32, #tpu.memory_space<any>> -> memref<1x2048xf32, #tpu.memory_space<any>>
    %dma_start3A_107 = arith.constant 0 : i32
    %dma_start3A_108 = tpu.memref_slice %arg1[%get3A_104, %dma_start3A_107] : memref<4096x2048xf32, #tpu.memory_space<any>> -> memref<1x2048xf32, #tpu.memory_space<any>>
    tpu.enqueue_dma source(%dma_start3A_108 : memref<1x2048xf32, #tpu.memory_space<any>>) target(%dma_start3A_106 : memref<1x2048xf32, #tpu.memory_space<any>>) target_semaphore(%arg3 : memref<!tpu.dma_semaphore, #tpu.memory_space<semaphore_mem>>)
    %scan3A_109 = arith.constant 16 : i32
    %get3A_110 = arith.index_cast %scan3A_109 : i32 to index
    %get3A_111 = memref.load %arg0[%get3A_110] : memref<32xi32, #tpu.memory_space<smem>>
    %dma_start3A_112 = arith.constant 0 : i32
    %dma_start3A_113 = tpu.memref_slice %arg2[%scan3A_109, %dma_start3A_112] : memref<32x2048xf32, #tpu.memory_space<any>> -> memref<1x2048xf32, #tpu.memory_space<any>>
    %dma_start3A_114 = arith.constant 0 : i32
    %dma_start3A_115 = tpu.memref_slice %arg1[%get3A_111, %dma_start3A_114] : memref<4096x2048xf32, #tpu.memory_space<any>> -> memref<1x2048xf32, #tpu.memory_space<any>>
    tpu.enqueue_dma source(%dma_start3A_115 : memref<1x2048xf32, #tpu.memory_space<any>>) target(%dma_start3A_113 : memref<1x2048xf32, #tpu.memory_space<any>>) target_semaphore(%arg3 : memref<!tpu.dma_semaphore, #tpu.memory_space<semaphore_mem>>)
    %scan3A_116 = arith.constant 17 : i32
    %get3A_117 = arith.index_cast %scan3A_116 : i32 to index
    %get3A_118 = memref.load %arg0[%get3A_117] : memref<32xi32, #tpu.memory_space<smem>>
    %dma_start3A_119 = arith.constant 0 : i32
    %dma_start3A_120 = tpu.memref_slice %arg2[%scan3A_116, %dma_start3A_119] : memref<32x2048xf32, #tpu.memory_space<any>> -> memref<1x2048xf32, #tpu.memory_space<any>>
    %dma_start3A_121 = arith.constant 0 : i32
    %dma_start3A_122 = tpu.memref_slice %arg1[%get3A_118, %dma_start3A_121] : memref<4096x2048xf32, #tpu.memory_space<any>> -> memref<1x2048xf32, #tpu.memory_space<any>>
    tpu.enqueue_dma source(%dma_start3A_122 : memref<1x2048xf32, #tpu.memory_space<any>>) target(%dma_start3A_120 : memref<1x2048xf32, #tpu.memory_space<any>>) target_semaphore(%arg3 : memref<!tpu.dma_semaphore, #tpu.memory_space<semaphore_mem>>)
    %scan3A_123 = arith.constant 18 : i32
    %get3A_124 = arith.index_cast %scan3A_123 : i32 to index
    %get3A_125 = memref.load %arg0[%get3A_124] : memref<32xi32, #tpu.memory_space<smem>>
    %dma_start3A_126 = arith.constant 0 : i32
    %dma_start3A_127 = tpu.memref_slice %arg2[%scan3A_123, %dma_start3A_126] : memref<32x2048xf32, #tpu.memory_space<any>> -> memref<1x2048xf32, #tpu.memory_space<any>>
    %dma_start3A_128 = arith.constant 0 : i32
    %dma_start3A_129 = tpu.memref_slice %arg1[%get3A_125, %dma_start3A_128] : memref<4096x2048xf32, #tpu.memory_space<any>> -> memref<1x2048xf32, #tpu.memory_space<any>>
    tpu.enqueue_dma source(%dma_start3A_129 : memref<1x2048xf32, #tpu.memory_space<any>>) target(%dma_start3A_127 : memref<1x2048xf32, #tpu.memory_space<any>>) target_semaphore(%arg3 : memref<!tpu.dma_semaphore, #tpu.memory_space<semaphore_mem>>)
    %scan3A_130 = arith.constant 19 : i32
    %get3A_131 = arith.index_cast %scan3A_130 : i32 to index
    %get3A_132 = memref.load %arg0[%get3A_131] : memref<32xi32, #tpu.memory_space<smem>>
    %dma_start3A_133 = arith.constant 0 : i32
    %dma_start3A_134 = tpu.memref_slice %arg2[%scan3A_130, %dma_start3A_133] : memref<32x2048xf32, #tpu.memory_space<any>> -> memref<1x2048xf32, #tpu.memory_space<any>>
    %dma_start3A_135 = arith.constant 0 : i32
    %dma_start3A_136 = tpu.memref_slice %arg1[%get3A_132, %dma_start3A_135] : memref<4096x2048xf32, #tpu.memory_space<any>> -> memref<1x2048xf32, #tpu.memory_space<any>>
    tpu.enqueue_dma source(%dma_start3A_136 : memref<1x2048xf32, #tpu.memory_space<any>>) target(%dma_start3A_134 : memref<1x2048xf32, #tpu.memory_space<any>>) target_semaphore(%arg3 : memref<!tpu.dma_semaphore, #tpu.memory_space<semaphore_mem>>)
    %scan3A_137 = arith.constant 20 : i32
    %get3A_138 = arith.index_cast %scan3A_137 : i32 to index
    %get3A_139 = memref.load %arg0[%get3A_138] : memref<32xi32, #tpu.memory_space<smem>>
    %dma_start3A_140 = arith.constant 0 : i32
    %dma_start3A_141 = tpu.memref_slice %arg2[%scan3A_137, %dma_start3A_140] : memref<32x2048xf32, #tpu.memory_space<any>> -> memref<1x2048xf32, #tpu.memory_space<any>>
    %dma_start3A_142 = arith.constant 0 : i32
    %dma_start3A_143 = tpu.memref_slice %arg1[%get3A_139, %dma_start3A_142] : memref<4096x2048xf32, #tpu.memory_space<any>> -> memref<1x2048xf32, #tpu.memory_space<any>>
    tpu.enqueue_dma source(%dma_start3A_143 : memref<1x2048xf32, #tpu.memory_space<any>>) target(%dma_start3A_141 : memref<1x2048xf32, #tpu.memory_space<any>>) target_semaphore(%arg3 : memref<!tpu.dma_semaphore, #tpu.memory_space<semaphore_mem>>)
    %scan3A_144 = arith.constant 21 : i32
    %get3A_145 = arith.index_cast %scan3A_144 : i32 to index
    %get3A_146 = memref.load %arg0[%get3A_145] : memref<32xi32, #tpu.memory_space<smem>>
    %dma_start3A_147 = arith.constant 0 : i32
    %dma_start3A_148 = tpu.memref_slice %arg2[%scan3A_144, %dma_start3A_147] : memref<32x2048xf32, #tpu.memory_space<any>> -> memref<1x2048xf32, #tpu.memory_space<any>>
    %dma_start3A_149 = arith.constant 0 : i32
    %dma_start3A_150 = tpu.memref_slice %arg1[%get3A_146, %dma_start3A_149] : memref<4096x2048xf32, #tpu.memory_space<any>> -> memref<1x2048xf32, #tpu.memory_space<any>>
    tpu.enqueue_dma source(%dma_start3A_150 : memref<1x2048xf32, #tpu.memory_space<any>>) target(%dma_start3A_148 : memref<1x2048xf32, #tpu.memory_space<any>>) target_semaphore(%arg3 : memref<!tpu.dma_semaphore, #tpu.memory_space<semaphore_mem>>)
    %scan3A_151 = arith.constant 22 : i32
    %get3A_152 = arith.index_cast %scan3A_151 : i32 to index
    %get3A_153 = memref.load %arg0[%get3A_152] : memref<32xi32, #tpu.memory_space<smem>>
    %dma_start3A_154 = arith.constant 0 : i32
    %dma_start3A_155 = tpu.memref_slice %arg2[%scan3A_151, %dma_start3A_154] : memref<32x2048xf32, #tpu.memory_space<any>> -> memref<1x2048xf32, #tpu.memory_space<any>>
    %dma_start3A_156 = arith.constant 0 : i32
    %dma_start3A_157 = tpu.memref_slice %arg1[%get3A_153, %dma_start3A_156] : memref<4096x2048xf32, #tpu.memory_space<any>> -> memref<1x2048xf32, #tpu.memory_space<any>>
    tpu.enqueue_dma source(%dma_start3A_157 : memref<1x2048xf32, #tpu.memory_space<any>>) target(%dma_start3A_155 : memref<1x2048xf32, #tpu.memory_space<any>>) target_semaphore(%arg3 : memref<!tpu.dma_semaphore, #tpu.memory_space<semaphore_mem>>)
    %scan3A_158 = arith.constant 23 : i32
    %get3A_159 = arith.index_cast %scan3A_158 : i32 to index
    %get3A_160 = memref.load %arg0[%get3A_159] : memref<32xi32, #tpu.memory_space<smem>>
    %dma_start3A_161 = arith.constant 0 : i32
    %dma_start3A_162 = tpu.memref_slice %arg2[%scan3A_158, %dma_start3A_161] : memref<32x2048xf32, #tpu.memory_space<any>> -> memref<1x2048xf32, #tpu.memory_space<any>>
    %dma_start3A_163 = arith.constant 0 : i32
    %dma_start3A_164 = tpu.memref_slice %arg1[%get3A_160, %dma_start3A_163] : memref<4096x2048xf32, #tpu.memory_space<any>> -> memref<1x2048xf32, #tpu.memory_space<any>>
    tpu.enqueue_dma source(%dma_start3A_164 : memref<1x2048xf32, #tpu.memory_space<any>>) target(%dma_start3A_162 : memref<1x2048xf32, #tpu.memory_space<any>>) target_semaphore(%arg3 : memref<!tpu.dma_semaphore, #tpu.memory_space<semaphore_mem>>)
    %scan3A_165 = arith.constant 24 : i32
    %get3A_166 = arith.index_cast %scan3A_165 : i32 to index
    %get3A_167 = memref.load %arg0[%get3A_166] : memref<32xi32, #tpu.memory_space<smem>>
    %dma_start3A_168 = arith.constant 0 : i32
    %dma_start3A_169 = tpu.memref_slice %arg2[%scan3A_165, %dma_start3A_168] : memref<32x2048xf32, #tpu.memory_space<any>> -> memref<1x2048xf32, #tpu.memory_space<any>>
    %dma_start3A_170 = arith.constant 0 : i32
    %dma_start3A_171 = tpu.memref_slice %arg1[%get3A_167, %dma_start3A_170] : memref<4096x2048xf32, #tpu.memory_space<any>> -> memref<1x2048xf32, #tpu.memory_space<any>>
    tpu.enqueue_dma source(%dma_start3A_171 : memref<1x2048xf32, #tpu.memory_space<any>>) target(%dma_start3A_169 : memref<1x2048xf32, #tpu.memory_space<any>>) target_semaphore(%arg3 : memref<!tpu.dma_semaphore, #tpu.memory_space<semaphore_mem>>)
    %scan3A_172 = arith.constant 25 : i32
    %get3A_173 = arith.index_cast %scan3A_172 : i32 to index
    %get3A_174 = memref.load %arg0[%get3A_173] : memref<32xi32, #tpu.memory_space<smem>>
    %dma_start3A_175 = arith.constant 0 : i32
    %dma_start3A_176 = tpu.memref_slice %arg2[%scan3A_172, %dma_start3A_175] : memref<32x2048xf32, #tpu.memory_space<any>> -> memref<1x2048xf32, #tpu.memory_space<any>>
    %dma_start3A_177 = arith.constant 0 : i32
    %dma_start3A_178 = tpu.memref_slice %arg1[%get3A_174, %dma_start3A_177] : memref<4096x2048xf32, #tpu.memory_space<any>> -> memref<1x2048xf32, #tpu.memory_space<any>>
    tpu.enqueue_dma source(%dma_start3A_178 : memref<1x2048xf32, #tpu.memory_space<any>>) target(%dma_start3A_176 : memref<1x2048xf32, #tpu.memory_space<any>>) target_semaphore(%arg3 : memref<!tpu.dma_semaphore, #tpu.memory_space<semaphore_mem>>)
    %scan3A_179 = arith.constant 26 : i32
    %get3A_180 = arith.index_cast %scan3A_179 : i32 to index
    %get3A_181 = memref.load %arg0[%get3A_180] : memref<32xi32, #tpu.memory_space<smem>>
    %dma_start3A_182 = arith.constant 0 : i32
    %dma_start3A_183 = tpu.memref_slice %arg2[%scan3A_179, %dma_start3A_182] : memref<32x2048xf32, #tpu.memory_space<any>> -> memref<1x2048xf32, #tpu.memory_space<any>>
    %dma_start3A_184 = arith.constant 0 : i32
    %dma_start3A_185 = tpu.memref_slice %arg1[%get3A_181, %dma_start3A_184] : memref<4096x2048xf32, #tpu.memory_space<any>> -> memref<1x2048xf32, #tpu.memory_space<any>>
    tpu.enqueue_dma source(%dma_start3A_185 : memref<1x2048xf32, #tpu.memory_space<any>>) target(%dma_start3A_183 : memref<1x2048xf32, #tpu.memory_space<any>>) target_semaphore(%arg3 : memref<!tpu.dma_semaphore, #tpu.memory_space<semaphore_mem>>)
    %scan3A_186 = arith.constant 27 : i32
    %get3A_187 = arith.index_cast %scan3A_186 : i32 to index
    %get3A_188 = memref.load %arg0[%get3A_187] : memref<32xi32, #tpu.memory_space<smem>>
    %dma_start3A_189 = arith.constant 0 : i32
    %dma_start3A_190 = tpu.memref_slice %arg2[%scan3A_186, %dma_start3A_189] : memref<32x2048xf32, #tpu.memory_space<any>> -> memref<1x2048xf32, #tpu.memory_space<any>>
    %dma_start3A_191 = arith.constant 0 : i32
    %dma_start3A_192 = tpu.memref_slice %arg1[%get3A_188, %dma_start3A_191] : memref<4096x2048xf32, #tpu.memory_space<any>> -> memref<1x2048xf32, #tpu.memory_space<any>>
    tpu.enqueue_dma source(%dma_start3A_192 : memref<1x2048xf32, #tpu.memory_space<any>>) target(%dma_start3A_190 : memref<1x2048xf32, #tpu.memory_space<any>>) target_semaphore(%arg3 : memref<!tpu.dma_semaphore, #tpu.memory_space<semaphore_mem>>)
    %scan3A_193 = arith.constant 28 : i32
    %get3A_194 = arith.index_cast %scan3A_193 : i32 to index
    %get3A_195 = memref.load %arg0[%get3A_194] : memref<32xi32, #tpu.memory_space<smem>>
    %dma_start3A_196 = arith.constant 0 : i32
    %dma_start3A_197 = tpu.memref_slice %arg2[%scan3A_193, %dma_start3A_196] : memref<32x2048xf32, #tpu.memory_space<any>> -> memref<1x2048xf32, #tpu.memory_space<any>>
    %dma_start3A_198 = arith.constant 0 : i32
    %dma_start3A_199 = tpu.memref_slice %arg1[%get3A_195, %dma_start3A_198] : memref<4096x2048xf32, #tpu.memory_space<any>> -> memref<1x2048xf32, #tpu.memory_space<any>>
    tpu.enqueue_dma source(%dma_start3A_199 : memref<1x2048xf32, #tpu.memory_space<any>>) target(%dma_start3A_197 : memref<1x2048xf32, #tpu.memory_space<any>>) target_semaphore(%arg3 : memref<!tpu.dma_semaphore, #tpu.memory_space<semaphore_mem>>)
    %scan3A_200 = arith.constant 29 : i32
    %get3A_201 = arith.index_cast %scan3A_200 : i32 to index
    %get3A_202 = memref.load %arg0[%get3A_201] : memref<32xi32, #tpu.memory_space<smem>>
    %dma_start3A_203 = arith.constant 0 : i32
    %dma_start3A_204 = tpu.memref_slice %arg2[%scan3A_200, %dma_start3A_203] : memref<32x2048xf32, #tpu.memory_space<any>> -> memref<1x2048xf32, #tpu.memory_space<any>>
    %dma_start3A_205 = arith.constant 0 : i32
    %dma_start3A_206 = tpu.memref_slice %arg1[%get3A_202, %dma_start3A_205] : memref<4096x2048xf32, #tpu.memory_space<any>> -> memref<1x2048xf32, #tpu.memory_space<any>>
    tpu.enqueue_dma source(%dma_start3A_206 : memref<1x2048xf32, #tpu.memory_space<any>>) target(%dma_start3A_204 : memref<1x2048xf32, #tpu.memory_space<any>>) target_semaphore(%arg3 : memref<!tpu.dma_semaphore, #tpu.memory_space<semaphore_mem>>)
    %scan3A_207 = arith.constant 30 : i32
    %get3A_208 = arith.index_cast %scan3A_207 : i32 to index
    %get3A_209 = memref.load %arg0[%get3A_208] : memref<32xi32, #tpu.memory_space<smem>>
    %dma_start3A_210 = arith.constant 0 : i32
    %dma_start3A_211 = tpu.memref_slice %arg2[%scan3A_207, %dma_start3A_210] : memref<32x2048xf32, #tpu.memory_space<any>> -> memref<1x2048xf32, #tpu.memory_space<any>>
    %dma_start3A_212 = arith.constant 0 : i32
    %dma_start3A_213 = tpu.memref_slice %arg1[%get3A_209, %dma_start3A_212] : memref<4096x2048xf32, #tpu.memory_space<any>> -> memref<1x2048xf32, #tpu.memory_space<any>>
    tpu.enqueue_dma source(%dma_start3A_213 : memref<1x2048xf32, #tpu.memory_space<any>>) target(%dma_start3A_211 : memref<1x2048xf32, #tpu.memory_space<any>>) target_semaphore(%arg3 : memref<!tpu.dma_semaphore, #tpu.memory_space<semaphore_mem>>)
    %scan3A_214 = arith.constant 31 : i32
    %get3A_215 = arith.index_cast %scan3A_214 : i32 to index
    %get3A_216 = memref.load %arg0[%get3A_215] : memref<32xi32, #tpu.memory_space<smem>>
    %dma_start3A_217 = arith.constant 0 : i32
    %dma_start3A_218 = tpu.memref_slice %arg2[%scan3A_214, %dma_start3A_217] : memref<32x2048xf32, #tpu.memory_space<any>> -> memref<1x2048xf32, #tpu.memory_space<any>>
    %dma_start3A_219 = arith.constant 0 : i32
    %dma_start3A_220 = tpu.memref_slice %arg1[%get3A_216, %dma_start3A_219] : memref<4096x2048xf32, #tpu.memory_space<any>> -> memref<1x2048xf32, #tpu.memory_space<any>>
    tpu.enqueue_dma source(%dma_start3A_220 : memref<1x2048xf32, #tpu.memory_space<any>>) target(%dma_start3A_218 : memref<1x2048xf32, #tpu.memory_space<any>>) target_semaphore(%arg3 : memref<!tpu.dma_semaphore, #tpu.memory_space<semaphore_mem>>)
    %scan3A_221 = arith.constant 32 : i32
    %scan3A_222 = arith.constant 0 : i32
    %get3A_223 = arith.index_cast %scan3A_222 : i32 to index
    %get3A_224 = memref.load %arg0[%get3A_223] : memref<32xi32, #tpu.memory_space<smem>>
    %dma_wait3A = arith.constant 0 : i32
    %dma_wait3A_225 = tpu.memref_slice %arg2[%scan3A_222, %dma_wait3A] : memref<32x2048xf32, #tpu.memory_space<any>> -> memref<1x2048xf32, #tpu.memory_space<any>>
    %dma_wait3A_226 = arith.constant 0 : i32
    %dma_wait3A_227 = tpu.memref_slice %arg1[%get3A_224, %dma_wait3A_226] : memref<4096x2048xf32, #tpu.memory_space<any>> -> memref<1x2048xf32, #tpu.memory_space<any>>
    tpu.wait_dma2 semaphore(%arg3 : memref<!tpu.dma_semaphore, #tpu.memory_space<semaphore_mem>>) src(%dma_wait3A_227 : memref<1x2048xf32, #tpu.memory_space<any>>) dst(%dma_wait3A_225 : memref<1x2048xf32, #tpu.memory_space<any>>)
    %scan3A_228 = arith.constant 1 : i32
    %get3A_229 = arith.index_cast %scan3A_228 : i32 to index
    %get3A_230 = memref.load %arg0[%get3A_229] : memref<32xi32, #tpu.memory_space<smem>>
    %dma_wait3A_231 = arith.constant 0 : i32
    %dma_wait3A_232 = tpu.memref_slice %arg2[%scan3A_228, %dma_wait3A_231] : memref<32x2048xf32, #tpu.memory_space<any>> -> memref<1x2048xf32, #tpu.memory_space<any>>
    %dma_wait3A_233 = arith.constant 0 : i32
    %dma_wait3A_234 = tpu.memref_slice %arg1[%get3A_230, %dma_wait3A_233] : memref<4096x2048xf32, #tpu.memory_space<any>> -> memref<1x2048xf32, #tpu.memory_space<any>>
    tpu.wait_dma2 semaphore(%arg3 : memref<!tpu.dma_semaphore, #tpu.memory_space<semaphore_mem>>) src(%dma_wait3A_234 : memref<1x2048xf32, #tpu.memory_space<any>>) dst(%dma_wait3A_232 : memref<1x2048xf32, #tpu.memory_space<any>>)
    %scan3A_235 = arith.constant 2 : i32
    %get3A_236 = arith.index_cast %scan3A_235 : i32 to index
    %get3A_237 = memref.load %arg0[%get3A_236] : memref<32xi32, #tpu.memory_space<smem>>
    %dma_wait3A_238 = arith.constant 0 : i32
    %dma_wait3A_239 = tpu.memref_slice %arg2[%scan3A_235, %dma_wait3A_238] : memref<32x2048xf32, #tpu.memory_space<any>> -> memref<1x2048xf32, #tpu.memory_space<any>>
    %dma_wait3A_240 = arith.constant 0 : i32
    %dma_wait3A_241 = tpu.memref_slice %arg1[%get3A_237, %dma_wait3A_240] : memref<4096x2048xf32, #tpu.memory_space<any>> -> memref<1x2048xf32, #tpu.memory_space<any>>
    tpu.wait_dma2 semaphore(%arg3 : memref<!tpu.dma_semaphore, #tpu.memory_space<semaphore_mem>>) src(%dma_wait3A_241 : memref<1x2048xf32, #tpu.memory_space<any>>) dst(%dma_wait3A_239 : memref<1x2048xf32, #tpu.memory_space<any>>)
    %scan3A_242 = arith.constant 3 : i32
    %get3A_243 = arith.index_cast %scan3A_242 : i32 to index
    %get3A_244 = memref.load %arg0[%get3A_243] : memref<32xi32, #tpu.memory_space<smem>>
    %dma_wait3A_245 = arith.constant 0 : i32
    %dma_wait3A_246 = tpu.memref_slice %arg2[%scan3A_242, %dma_wait3A_245] : memref<32x2048xf32, #tpu.memory_space<any>> -> memref<1x2048xf32, #tpu.memory_space<any>>
    %dma_wait3A_247 = arith.constant 0 : i32
    %dma_wait3A_248 = tpu.memref_slice %arg1[%get3A_244, %dma_wait3A_247] : memref<4096x2048xf32, #tpu.memory_space<any>> -> memref<1x2048xf32, #tpu.memory_space<any>>
    tpu.wait_dma2 semaphore(%arg3 : memref<!tpu.dma_semaphore, #tpu.memory_space<semaphore_mem>>) src(%dma_wait3A_248 : memref<1x2048xf32, #tpu.memory_space<any>>) dst(%dma_wait3A_246 : memref<1x2048xf32, #tpu.memory_space<any>>)
    %scan3A_249 = arith.constant 4 : i32
    %get3A_250 = arith.index_cast %scan3A_249 : i32 to index
    %get3A_251 = memref.load %arg0[%get3A_250] : memref<32xi32, #tpu.memory_space<smem>>
    %dma_wait3A_252 = arith.constant 0 : i32
    %dma_wait3A_253 = tpu.memref_slice %arg2[%scan3A_249, %dma_wait3A_252] : memref<32x2048xf32, #tpu.memory_space<any>> -> memref<1x2048xf32, #tpu.memory_space<any>>
    %dma_wait3A_254 = arith.constant 0 : i32
    %dma_wait3A_255 = tpu.memref_slice %arg1[%get3A_251, %dma_wait3A_254] : memref<4096x2048xf32, #tpu.memory_space<any>> -> memref<1x2048xf32, #tpu.memory_space<any>>
    tpu.wait_dma2 semaphore(%arg3 : memref<!tpu.dma_semaphore, #tpu.memory_space<semaphore_mem>>) src(%dma_wait3A_255 : memref<1x2048xf32, #tpu.memory_space<any>>) dst(%dma_wait3A_253 : memref<1x2048xf32, #tpu.memory_space<any>>)
    %scan3A_256 = arith.constant 5 : i32
    %get3A_257 = arith.index_cast %scan3A_256 : i32 to index
    %get3A_258 = memref.load %arg0[%get3A_257] : memref<32xi32, #tpu.memory_space<smem>>
    %dma_wait3A_259 = arith.constant 0 : i32
    %dma_wait3A_260 = tpu.memref_slice %arg2[%scan3A_256, %dma_wait3A_259] : memref<32x2048xf32, #tpu.memory_space<any>> -> memref<1x2048xf32, #tpu.memory_space<any>>
    %dma_wait3A_261 = arith.constant 0 : i32
    %dma_wait3A_262 = tpu.memref_slice %arg1[%get3A_258, %dma_wait3A_261] : memref<4096x2048xf32, #tpu.memory_space<any>> -> memref<1x2048xf32, #tpu.memory_space<any>>
    tpu.wait_dma2 semaphore(%arg3 : memref<!tpu.dma_semaphore, #tpu.memory_space<semaphore_mem>>) src(%dma_wait3A_262 : memref<1x2048xf32, #tpu.memory_space<any>>) dst(%dma_wait3A_260 : memref<1x2048xf32, #tpu.memory_space<any>>)
    %scan3A_263 = arith.constant 6 : i32
    %get3A_264 = arith.index_cast %scan3A_263 : i32 to index
    %get3A_265 = memref.load %arg0[%get3A_264] : memref<32xi32, #tpu.memory_space<smem>>
    %dma_wait3A_266 = arith.constant 0 : i32
    %dma_wait3A_267 = tpu.memref_slice %arg2[%scan3A_263, %dma_wait3A_266] : memref<32x2048xf32, #tpu.memory_space<any>> -> memref<1x2048xf32, #tpu.memory_space<any>>
    %dma_wait3A_268 = arith.constant 0 : i32
    %dma_wait3A_269 = tpu.memref_slice %arg1[%get3A_265, %dma_wait3A_268] : memref<4096x2048xf32, #tpu.memory_space<any>> -> memref<1x2048xf32, #tpu.memory_space<any>>
    tpu.wait_dma2 semaphore(%arg3 : memref<!tpu.dma_semaphore, #tpu.memory_space<semaphore_mem>>) src(%dma_wait3A_269 : memref<1x2048xf32, #tpu.memory_space<any>>) dst(%dma_wait3A_267 : memref<1x2048xf32, #tpu.memory_space<any>>)
    %scan3A_270 = arith.constant 7 : i32
    %get3A_271 = arith.index_cast %scan3A_270 : i32 to index
    %get3A_272 = memref.load %arg0[%get3A_271] : memref<32xi32, #tpu.memory_space<smem>>
    %dma_wait3A_273 = arith.constant 0 : i32
    %dma_wait3A_274 = tpu.memref_slice %arg2[%scan3A_270, %dma_wait3A_273] : memref<32x2048xf32, #tpu.memory_space<any>> -> memref<1x2048xf32, #tpu.memory_space<any>>
    %dma_wait3A_275 = arith.constant 0 : i32
    %dma_wait3A_276 = tpu.memref_slice %arg1[%get3A_272, %dma_wait3A_275] : memref<4096x2048xf32, #tpu.memory_space<any>> -> memref<1x2048xf32, #tpu.memory_space<any>>
    tpu.wait_dma2 semaphore(%arg3 : memref<!tpu.dma_semaphore, #tpu.memory_space<semaphore_mem>>) src(%dma_wait3A_276 : memref<1x2048xf32, #tpu.memory_space<any>>) dst(%dma_wait3A_274 : memref<1x2048xf32, #tpu.memory_space<any>>)
    %scan3A_277 = arith.constant 8 : i32
    %get3A_278 = arith.index_cast %scan3A_277 : i32 to index
    %get3A_279 = memref.load %arg0[%get3A_278] : memref<32xi32, #tpu.memory_space<smem>>
    %dma_wait3A_280 = arith.constant 0 : i32
    %dma_wait3A_281 = tpu.memref_slice %arg2[%scan3A_277, %dma_wait3A_280] : memref<32x2048xf32, #tpu.memory_space<any>> -> memref<1x2048xf32, #tpu.memory_space<any>>
    %dma_wait3A_282 = arith.constant 0 : i32
    %dma_wait3A_283 = tpu.memref_slice %arg1[%get3A_279, %dma_wait3A_282] : memref<4096x2048xf32, #tpu.memory_space<any>> -> memref<1x2048xf32, #tpu.memory_space<any>>
    tpu.wait_dma2 semaphore(%arg3 : memref<!tpu.dma_semaphore, #tpu.memory_space<semaphore_mem>>) src(%dma_wait3A_283 : memref<1x2048xf32, #tpu.memory_space<any>>) dst(%dma_wait3A_281 : memref<1x2048xf32, #tpu.memory_space<any>>)
    %scan3A_284 = arith.constant 9 : i32
    %get3A_285 = arith.index_cast %scan3A_284 : i32 to index
    %get3A_286 = memref.load %arg0[%get3A_285] : memref<32xi32, #tpu.memory_space<smem>>
    %dma_wait3A_287 = arith.constant 0 : i32
    %dma_wait3A_288 = tpu.memref_slice %arg2[%scan3A_284, %dma_wait3A_287] : memref<32x2048xf32, #tpu.memory_space<any>> -> memref<1x2048xf32, #tpu.memory_space<any>>
    %dma_wait3A_289 = arith.constant 0 : i32
    %dma_wait3A_290 = tpu.memref_slice %arg1[%get3A_286, %dma_wait3A_289] : memref<4096x2048xf32, #tpu.memory_space<any>> -> memref<1x2048xf32, #tpu.memory_space<any>>
    tpu.wait_dma2 semaphore(%arg3 : memref<!tpu.dma_semaphore, #tpu.memory_space<semaphore_mem>>) src(%dma_wait3A_290 : memref<1x2048xf32, #tpu.memory_space<any>>) dst(%dma_wait3A_288 : memref<1x2048xf32, #tpu.memory_space<any>>)
    %scan3A_291 = arith.constant 10 : i32
    %get3A_292 = arith.index_cast %scan3A_291 : i32 to index
    %get3A_293 = memref.load %arg0[%get3A_292] : memref<32xi32, #tpu.memory_space<smem>>
    %dma_wait3A_294 = arith.constant 0 : i32
    %dma_wait3A_295 = tpu.memref_slice %arg2[%scan3A_291, %dma_wait3A_294] : memref<32x2048xf32, #tpu.memory_space<any>> -> memref<1x2048xf32, #tpu.memory_space<any>>
    %dma_wait3A_296 = arith.constant 0 : i32
    %dma_wait3A_297 = tpu.memref_slice %arg1[%get3A_293, %dma_wait3A_296] : memref<4096x2048xf32, #tpu.memory_space<any>> -> memref<1x2048xf32, #tpu.memory_space<any>>
    tpu.wait_dma2 semaphore(%arg3 : memref<!tpu.dma_semaphore, #tpu.memory_space<semaphore_mem>>) src(%dma_wait3A_297 : memref<1x2048xf32, #tpu.memory_space<any>>) dst(%dma_wait3A_295 : memref<1x2048xf32, #tpu.memory_space<any>>)
    %scan3A_298 = arith.constant 11 : i32
    %get3A_299 = arith.index_cast %scan3A_298 : i32 to index
    %get3A_300 = memref.load %arg0[%get3A_299] : memref<32xi32, #tpu.memory_space<smem>>
    %dma_wait3A_301 = arith.constant 0 : i32
    %dma_wait3A_302 = tpu.memref_slice %arg2[%scan3A_298, %dma_wait3A_301] : memref<32x2048xf32, #tpu.memory_space<any>> -> memref<1x2048xf32, #tpu.memory_space<any>>
    %dma_wait3A_303 = arith.constant 0 : i32
    %dma_wait3A_304 = tpu.memref_slice %arg1[%get3A_300, %dma_wait3A_303] : memref<4096x2048xf32, #tpu.memory_space<any>> -> memref<1x2048xf32, #tpu.memory_space<any>>
    tpu.wait_dma2 semaphore(%arg3 : memref<!tpu.dma_semaphore, #tpu.memory_space<semaphore_mem>>) src(%dma_wait3A_304 : memref<1x2048xf32, #tpu.memory_space<any>>) dst(%dma_wait3A_302 : memref<1x2048xf32, #tpu.memory_space<any>>)
    %scan3A_305 = arith.constant 12 : i32
    %get3A_306 = arith.index_cast %scan3A_305 : i32 to index
    %get3A_307 = memref.load %arg0[%get3A_306] : memref<32xi32, #tpu.memory_space<smem>>
    %dma_wait3A_308 = arith.constant 0 : i32
    %dma_wait3A_309 = tpu.memref_slice %arg2[%scan3A_305, %dma_wait3A_308] : memref<32x2048xf32, #tpu.memory_space<any>> -> memref<1x2048xf32, #tpu.memory_space<any>>
    %dma_wait3A_310 = arith.constant 0 : i32
    %dma_wait3A_311 = tpu.memref_slice %arg1[%get3A_307, %dma_wait3A_310] : memref<4096x2048xf32, #tpu.memory_space<any>> -> memref<1x2048xf32, #tpu.memory_space<any>>
    tpu.wait_dma2 semaphore(%arg3 : memref<!tpu.dma_semaphore, #tpu.memory_space<semaphore_mem>>) src(%dma_wait3A_311 : memref<1x2048xf32, #tpu.memory_space<any>>) dst(%dma_wait3A_309 : memref<1x2048xf32, #tpu.memory_space<any>>)
    %scan3A_312 = arith.constant 13 : i32
    %get3A_313 = arith.index_cast %scan3A_312 : i32 to index
    %get3A_314 = memref.load %arg0[%get3A_313] : memref<32xi32, #tpu.memory_space<smem>>
    %dma_wait3A_315 = arith.constant 0 : i32
    %dma_wait3A_316 = tpu.memref_slice %arg2[%scan3A_312, %dma_wait3A_315] : memref<32x2048xf32, #tpu.memory_space<any>> -> memref<1x2048xf32, #tpu.memory_space<any>>
    %dma_wait3A_317 = arith.constant 0 : i32
    %dma_wait3A_318 = tpu.memref_slice %arg1[%get3A_314, %dma_wait3A_317] : memref<4096x2048xf32, #tpu.memory_space<any>> -> memref<1x2048xf32, #tpu.memory_space<any>>
    tpu.wait_dma2 semaphore(%arg3 : memref<!tpu.dma_semaphore, #tpu.memory_space<semaphore_mem>>) src(%dma_wait3A_318 : memref<1x2048xf32, #tpu.memory_space<any>>) dst(%dma_wait3A_316 : memref<1x2048xf32, #tpu.memory_space<any>>)
    %scan3A_319 = arith.constant 14 : i32
    %get3A_320 = arith.index_cast %scan3A_319 : i32 to index
    %get3A_321 = memref.load %arg0[%get3A_320] : memref<32xi32, #tpu.memory_space<smem>>
    %dma_wait3A_322 = arith.constant 0 : i32
    %dma_wait3A_323 = tpu.memref_slice %arg2[%scan3A_319, %dma_wait3A_322] : memref<32x2048xf32, #tpu.memory_space<any>> -> memref<1x2048xf32, #tpu.memory_space<any>>
    %dma_wait3A_324 = arith.constant 0 : i32
    %dma_wait3A_325 = tpu.memref_slice %arg1[%get3A_321, %dma_wait3A_324] : memref<4096x2048xf32, #tpu.memory_space<any>> -> memref<1x2048xf32, #tpu.memory_space<any>>
    tpu.wait_dma2 semaphore(%arg3 : memref<!tpu.dma_semaphore, #tpu.memory_space<semaphore_mem>>) src(%dma_wait3A_325 : memref<1x2048xf32, #tpu.memory_space<any>>) dst(%dma_wait3A_323 : memref<1x2048xf32, #tpu.memory_space<any>>)
    %scan3A_326 = arith.constant 15 : i32
    %get3A_327 = arith.index_cast %scan3A_326 : i32 to index
    %get3A_328 = memref.load %arg0[%get3A_327] : memref<32xi32, #tpu.memory_space<smem>>
    %dma_wait3A_329 = arith.constant 0 : i32
    %dma_wait3A_330 = tpu.memref_slice %arg2[%scan3A_326, %dma_wait3A_329] : memref<32x2048xf32, #tpu.memory_space<any>> -> memref<1x2048xf32, #tpu.memory_space<any>>
    %dma_wait3A_331 = arith.constant 0 : i32
    %dma_wait3A_332 = tpu.memref_slice %arg1[%get3A_328, %dma_wait3A_331] : memref<4096x2048xf32, #tpu.memory_space<any>> -> memref<1x2048xf32, #tpu.memory_space<any>>
    tpu.wait_dma2 semaphore(%arg3 : memref<!tpu.dma_semaphore, #tpu.memory_space<semaphore_mem>>) src(%dma_wait3A_332 : memref<1x2048xf32, #tpu.memory_space<any>>) dst(%dma_wait3A_330 : memref<1x2048xf32, #tpu.memory_space<any>>)
    %scan3A_333 = arith.constant 16 : i32
    %get3A_334 = arith.index_cast %scan3A_333 : i32 to index
    %get3A_335 = memref.load %arg0[%get3A_334] : memref<32xi32, #tpu.memory_space<smem>>
    %dma_wait3A_336 = arith.constant 0 : i32
    %dma_wait3A_337 = tpu.memref_slice %arg2[%scan3A_333, %dma_wait3A_336] : memref<32x2048xf32, #tpu.memory_space<any>> -> memref<1x2048xf32, #tpu.memory_space<any>>
    %dma_wait3A_338 = arith.constant 0 : i32
    %dma_wait3A_339 = tpu.memref_slice %arg1[%get3A_335, %dma_wait3A_338] : memref<4096x2048xf32, #tpu.memory_space<any>> -> memref<1x2048xf32, #tpu.memory_space<any>>
    tpu.wait_dma2 semaphore(%arg3 : memref<!tpu.dma_semaphore, #tpu.memory_space<semaphore_mem>>) src(%dma_wait3A_339 : memref<1x2048xf32, #tpu.memory_space<any>>) dst(%dma_wait3A_337 : memref<1x2048xf32, #tpu.memory_space<any>>)
    %scan3A_340 = arith.constant 17 : i32
    %get3A_341 = arith.index_cast %scan3A_340 : i32 to index
    %get3A_342 = memref.load %arg0[%get3A_341] : memref<32xi32, #tpu.memory_space<smem>>
    %dma_wait3A_343 = arith.constant 0 : i32
    %dma_wait3A_344 = tpu.memref_slice %arg2[%scan3A_340, %dma_wait3A_343] : memref<32x2048xf32, #tpu.memory_space<any>> -> memref<1x2048xf32, #tpu.memory_space<any>>
    %dma_wait3A_345 = arith.constant 0 : i32
    %dma_wait3A_346 = tpu.memref_slice %arg1[%get3A_342, %dma_wait3A_345] : memref<4096x2048xf32, #tpu.memory_space<any>> -> memref<1x2048xf32, #tpu.memory_space<any>>
    tpu.wait_dma2 semaphore(%arg3 : memref<!tpu.dma_semaphore, #tpu.memory_space<semaphore_mem>>) src(%dma_wait3A_346 : memref<1x2048xf32, #tpu.memory_space<any>>) dst(%dma_wait3A_344 : memref<1x2048xf32, #tpu.memory_space<any>>)
    %scan3A_347 = arith.constant 18 : i32
    %get3A_348 = arith.index_cast %scan3A_347 : i32 to index
    %get3A_349 = memref.load %arg0[%get3A_348] : memref<32xi32, #tpu.memory_space<smem>>
    %dma_wait3A_350 = arith.constant 0 : i32
    %dma_wait3A_351 = tpu.memref_slice %arg2[%scan3A_347, %dma_wait3A_350] : memref<32x2048xf32, #tpu.memory_space<any>> -> memref<1x2048xf32, #tpu.memory_space<any>>
    %dma_wait3A_352 = arith.constant 0 : i32
    %dma_wait3A_353 = tpu.memref_slice %arg1[%get3A_349, %dma_wait3A_352] : memref<4096x2048xf32, #tpu.memory_space<any>> -> memref<1x2048xf32, #tpu.memory_space<any>>
    tpu.wait_dma2 semaphore(%arg3 : memref<!tpu.dma_semaphore, #tpu.memory_space<semaphore_mem>>) src(%dma_wait3A_353 : memref<1x2048xf32, #tpu.memory_space<any>>) dst(%dma_wait3A_351 : memref<1x2048xf32, #tpu.memory_space<any>>)
    %scan3A_354 = arith.constant 19 : i32
    %get3A_355 = arith.index_cast %scan3A_354 : i32 to index
    %get3A_356 = memref.load %arg0[%get3A_355] : memref<32xi32, #tpu.memory_space<smem>>
    %dma_wait3A_357 = arith.constant 0 : i32
    %dma_wait3A_358 = tpu.memref_slice %arg2[%scan3A_354, %dma_wait3A_357] : memref<32x2048xf32, #tpu.memory_space<any>> -> memref<1x2048xf32, #tpu.memory_space<any>>
    %dma_wait3A_359 = arith.constant 0 : i32
    %dma_wait3A_360 = tpu.memref_slice %arg1[%get3A_356, %dma_wait3A_359] : memref<4096x2048xf32, #tpu.memory_space<any>> -> memref<1x2048xf32, #tpu.memory_space<any>>
    tpu.wait_dma2 semaphore(%arg3 : memref<!tpu.dma_semaphore, #tpu.memory_space<semaphore_mem>>) src(%dma_wait3A_360 : memref<1x2048xf32, #tpu.memory_space<any>>) dst(%dma_wait3A_358 : memref<1x2048xf32, #tpu.memory_space<any>>)
    %scan3A_361 = arith.constant 20 : i32
    %get3A_362 = arith.index_cast %scan3A_361 : i32 to index
    %get3A_363 = memref.load %arg0[%get3A_362] : memref<32xi32, #tpu.memory_space<smem>>
    %dma_wait3A_364 = arith.constant 0 : i32
    %dma_wait3A_365 = tpu.memref_slice %arg2[%scan3A_361, %dma_wait3A_364] : memref<32x2048xf32, #tpu.memory_space<any>> -> memref<1x2048xf32, #tpu.memory_space<any>>
    %dma_wait3A_366 = arith.constant 0 : i32
    %dma_wait3A_367 = tpu.memref_slice %arg1[%get3A_363, %dma_wait3A_366] : memref<4096x2048xf32, #tpu.memory_space<any>> -> memref<1x2048xf32, #tpu.memory_space<any>>
    tpu.wait_dma2 semaphore(%arg3 : memref<!tpu.dma_semaphore, #tpu.memory_space<semaphore_mem>>) src(%dma_wait3A_367 : memref<1x2048xf32, #tpu.memory_space<any>>) dst(%dma_wait3A_365 : memref<1x2048xf32, #tpu.memory_space<any>>)
    %scan3A_368 = arith.constant 21 : i32
    %get3A_369 = arith.index_cast %scan3A_368 : i32 to index
    %get3A_370 = memref.load %arg0[%get3A_369] : memref<32xi32, #tpu.memory_space<smem>>
    %dma_wait3A_371 = arith.constant 0 : i32
    %dma_wait3A_372 = tpu.memref_slice %arg2[%scan3A_368, %dma_wait3A_371] : memref<32x2048xf32, #tpu.memory_space<any>> -> memref<1x2048xf32, #tpu.memory_space<any>>
    %dma_wait3A_373 = arith.constant 0 : i32
    %dma_wait3A_374 = tpu.memref_slice %arg1[%get3A_370, %dma_wait3A_373] : memref<4096x2048xf32, #tpu.memory_space<any>> -> memref<1x2048xf32, #tpu.memory_space<any>>
    tpu.wait_dma2 semaphore(%arg3 : memref<!tpu.dma_semaphore, #tpu.memory_space<semaphore_mem>>) src(%dma_wait3A_374 : memref<1x2048xf32, #tpu.memory_space<any>>) dst(%dma_wait3A_372 : memref<1x2048xf32, #tpu.memory_space<any>>)
    %scan3A_375 = arith.constant 22 : i32
    %get3A_376 = arith.index_cast %scan3A_375 : i32 to index
    %get3A_377 = memref.load %arg0[%get3A_376] : memref<32xi32, #tpu.memory_space<smem>>
    %dma_wait3A_378 = arith.constant 0 : i32
    %dma_wait3A_379 = tpu.memref_slice %arg2[%scan3A_375, %dma_wait3A_378] : memref<32x2048xf32, #tpu.memory_space<any>> -> memref<1x2048xf32, #tpu.memory_space<any>>
    %dma_wait3A_380 = arith.constant 0 : i32
    %dma_wait3A_381 = tpu.memref_slice %arg1[%get3A_377, %dma_wait3A_380] : memref<4096x2048xf32, #tpu.memory_space<any>> -> memref<1x2048xf32, #tpu.memory_space<any>>
    tpu.wait_dma2 semaphore(%arg3 : memref<!tpu.dma_semaphore, #tpu.memory_space<semaphore_mem>>) src(%dma_wait3A_381 : memref<1x2048xf32, #tpu.memory_space<any>>) dst(%dma_wait3A_379 : memref<1x2048xf32, #tpu.memory_space<any>>)
    %scan3A_382 = arith.constant 23 : i32
    %get3A_383 = arith.index_cast %scan3A_382 : i32 to index
    %get3A_384 = memref.load %arg0[%get3A_383] : memref<32xi32, #tpu.memory_space<smem>>
    %dma_wait3A_385 = arith.constant 0 : i32
    %dma_wait3A_386 = tpu.memref_slice %arg2[%scan3A_382, %dma_wait3A_385] : memref<32x2048xf32, #tpu.memory_space<any>> -> memref<1x2048xf32, #tpu.memory_space<any>>
    %dma_wait3A_387 = arith.constant 0 : i32
    %dma_wait3A_388 = tpu.memref_slice %arg1[%get3A_384, %dma_wait3A_387] : memref<4096x2048xf32, #tpu.memory_space<any>> -> memref<1x2048xf32, #tpu.memory_space<any>>
    tpu.wait_dma2 semaphore(%arg3 : memref<!tpu.dma_semaphore, #tpu.memory_space<semaphore_mem>>) src(%dma_wait3A_388 : memref<1x2048xf32, #tpu.memory_space<any>>) dst(%dma_wait3A_386 : memref<1x2048xf32, #tpu.memory_space<any>>)
    %scan3A_389 = arith.constant 24 : i32
    %get3A_390 = arith.index_cast %scan3A_389 : i32 to index
    %get3A_391 = memref.load %arg0[%get3A_390] : memref<32xi32, #tpu.memory_space<smem>>
    %dma_wait3A_392 = arith.constant 0 : i32
    %dma_wait3A_393 = tpu.memref_slice %arg2[%scan3A_389, %dma_wait3A_392] : memref<32x2048xf32, #tpu.memory_space<any>> -> memref<1x2048xf32, #tpu.memory_space<any>>
    %dma_wait3A_394 = arith.constant 0 : i32
    %dma_wait3A_395 = tpu.memref_slice %arg1[%get3A_391, %dma_wait3A_394] : memref<4096x2048xf32, #tpu.memory_space<any>> -> memref<1x2048xf32, #tpu.memory_space<any>>
    tpu.wait_dma2 semaphore(%arg3 : memref<!tpu.dma_semaphore, #tpu.memory_space<semaphore_mem>>) src(%dma_wait3A_395 : memref<1x2048xf32, #tpu.memory_space<any>>) dst(%dma_wait3A_393 : memref<1x2048xf32, #tpu.memory_space<any>>)
    %scan3A_396 = arith.constant 25 : i32
    %get3A_397 = arith.index_cast %scan3A_396 : i32 to index
    %get3A_398 = memref.load %arg0[%get3A_397] : memref<32xi32, #tpu.memory_space<smem>>
    %dma_wait3A_399 = arith.constant 0 : i32
    %dma_wait3A_400 = tpu.memref_slice %arg2[%scan3A_396, %dma_wait3A_399] : memref<32x2048xf32, #tpu.memory_space<any>> -> memref<1x2048xf32, #tpu.memory_space<any>>
    %dma_wait3A_401 = arith.constant 0 : i32
    %dma_wait3A_402 = tpu.memref_slice %arg1[%get3A_398, %dma_wait3A_401] : memref<4096x2048xf32, #tpu.memory_space<any>> -> memref<1x2048xf32, #tpu.memory_space<any>>
    tpu.wait_dma2 semaphore(%arg3 : memref<!tpu.dma_semaphore, #tpu.memory_space<semaphore_mem>>) src(%dma_wait3A_402 : memref<1x2048xf32, #tpu.memory_space<any>>) dst(%dma_wait3A_400 : memref<1x2048xf32, #tpu.memory_space<any>>)
    %scan3A_403 = arith.constant 26 : i32
    %get3A_404 = arith.index_cast %scan3A_403 : i32 to index
    %get3A_405 = memref.load %arg0[%get3A_404] : memref<32xi32, #tpu.memory_space<smem>>
    %dma_wait3A_406 = arith.constant 0 : i32
    %dma_wait3A_407 = tpu.memref_slice %arg2[%scan3A_403, %dma_wait3A_406] : memref<32x2048xf32, #tpu.memory_space<any>> -> memref<1x2048xf32, #tpu.memory_space<any>>
    %dma_wait3A_408 = arith.constant 0 : i32
    %dma_wait3A_409 = tpu.memref_slice %arg1[%get3A_405, %dma_wait3A_408] : memref<4096x2048xf32, #tpu.memory_space<any>> -> memref<1x2048xf32, #tpu.memory_space<any>>
    tpu.wait_dma2 semaphore(%arg3 : memref<!tpu.dma_semaphore, #tpu.memory_space<semaphore_mem>>) src(%dma_wait3A_409 : memref<1x2048xf32, #tpu.memory_space<any>>) dst(%dma_wait3A_407 : memref<1x2048xf32, #tpu.memory_space<any>>)
    %scan3A_410 = arith.constant 27 : i32
    %get3A_411 = arith.index_cast %scan3A_410 : i32 to index
    %get3A_412 = memref.load %arg0[%get3A_411] : memref<32xi32, #tpu.memory_space<smem>>
    %dma_wait3A_413 = arith.constant 0 : i32
    %dma_wait3A_414 = tpu.memref_slice %arg2[%scan3A_410, %dma_wait3A_413] : memref<32x2048xf32, #tpu.memory_space<any>> -> memref<1x2048xf32, #tpu.memory_space<any>>
    %dma_wait3A_415 = arith.constant 0 : i32
    %dma_wait3A_416 = tpu.memref_slice %arg1[%get3A_412, %dma_wait3A_415] : memref<4096x2048xf32, #tpu.memory_space<any>> -> memref<1x2048xf32, #tpu.memory_space<any>>
    tpu.wait_dma2 semaphore(%arg3 : memref<!tpu.dma_semaphore, #tpu.memory_space<semaphore_mem>>) src(%dma_wait3A_416 : memref<1x2048xf32, #tpu.memory_space<any>>) dst(%dma_wait3A_414 : memref<1x2048xf32, #tpu.memory_space<any>>)
    %scan3A_417 = arith.constant 28 : i32
    %get3A_418 = arith.index_cast %scan3A_417 : i32 to index
    %get3A_419 = memref.load %arg0[%get3A_418] : memref<32xi32, #tpu.memory_space<smem>>
    %dma_wait3A_420 = arith.constant 0 : i32
    %dma_wait3A_421 = tpu.memref_slice %arg2[%scan3A_417, %dma_wait3A_420] : memref<32x2048xf32, #tpu.memory_space<any>> -> memref<1x2048xf32, #tpu.memory_space<any>>
    %dma_wait3A_422 = arith.constant 0 : i32
    %dma_wait3A_423 = tpu.memref_slice %arg1[%get3A_419, %dma_wait3A_422] : memref<4096x2048xf32, #tpu.memory_space<any>> -> memref<1x2048xf32, #tpu.memory_space<any>>
    tpu.wait_dma2 semaphore(%arg3 : memref<!tpu.dma_semaphore, #tpu.memory_space<semaphore_mem>>) src(%dma_wait3A_423 : memref<1x2048xf32, #tpu.memory_space<any>>) dst(%dma_wait3A_421 : memref<1x2048xf32, #tpu.memory_space<any>>)
    %scan3A_424 = arith.constant 29 : i32
    %get3A_425 = arith.index_cast %scan3A_424 : i32 to index
    %get3A_426 = memref.load %arg0[%get3A_425] : memref<32xi32, #tpu.memory_space<smem>>
    %dma_wait3A_427 = arith.constant 0 : i32
    %dma_wait3A_428 = tpu.memref_slice %arg2[%scan3A_424, %dma_wait3A_427] : memref<32x2048xf32, #tpu.memory_space<any>> -> memref<1x2048xf32, #tpu.memory_space<any>>
    %dma_wait3A_429 = arith.constant 0 : i32
    %dma_wait3A_430 = tpu.memref_slice %arg1[%get3A_426, %dma_wait3A_429] : memref<4096x2048xf32, #tpu.memory_space<any>> -> memref<1x2048xf32, #tpu.memory_space<any>>
    tpu.wait_dma2 semaphore(%arg3 : memref<!tpu.dma_semaphore, #tpu.memory_space<semaphore_mem>>) src(%dma_wait3A_430 : memref<1x2048xf32, #tpu.memory_space<any>>) dst(%dma_wait3A_428 : memref<1x2048xf32, #tpu.memory_space<any>>)
    %scan3A_431 = arith.constant 30 : i32
    %get3A_432 = arith.index_cast %scan3A_431 : i32 to index
    %get3A_433 = memref.load %arg0[%get3A_432] : memref<32xi32, #tpu.memory_space<smem>>
    %dma_wait3A_434 = arith.constant 0 : i32
    %dma_wait3A_435 = tpu.memref_slice %arg2[%scan3A_431, %dma_wait3A_434] : memref<32x2048xf32, #tpu.memory_space<any>> -> memref<1x2048xf32, #tpu.memory_space<any>>
    %dma_wait3A_436 = arith.constant 0 : i32
    %dma_wait3A_437 = tpu.memref_slice %arg1[%get3A_433, %dma_wait3A_436] : memref<4096x2048xf32, #tpu.memory_space<any>> -> memref<1x2048xf32, #tpu.memory_space<any>>
    tpu.wait_dma2 semaphore(%arg3 : memref<!tpu.dma_semaphore, #tpu.memory_space<semaphore_mem>>) src(%dma_wait3A_437 : memref<1x2048xf32, #tpu.memory_space<any>>) dst(%dma_wait3A_435 : memref<1x2048xf32, #tpu.memory_space<any>>)
    %scan3A_438 = arith.constant 31 : i32
    %get3A_439 = arith.index_cast %scan3A_438 : i32 to index
    %get3A_440 = memref.load %arg0[%get3A_439] : memref<32xi32, #tpu.memory_space<smem>>
    %dma_wait3A_441 = arith.constant 0 : i32
    %dma_wait3A_442 = tpu.memref_slice %arg2[%scan3A_438, %dma_wait3A_441] : memref<32x2048xf32, #tpu.memory_space<any>> -> memref<1x2048xf32, #tpu.memory_space<any>>
    %dma_wait3A_443 = arith.constant 0 : i32
    %dma_wait3A_444 = tpu.memref_slice %arg1[%get3A_440, %dma_wait3A_443] : memref<4096x2048xf32, #tpu.memory_space<any>> -> memref<1x2048xf32, #tpu.memory_space<any>>
    tpu.wait_dma2 semaphore(%arg3 : memref<!tpu.dma_semaphore, #tpu.memory_space<semaphore_mem>>) src(%dma_wait3A_444 : memref<1x2048xf32, #tpu.memory_space<any>>) dst(%dma_wait3A_442 : memref<1x2048xf32, #tpu.memory_space<any>>)
    %scan3A_445 = arith.constant 32 : i32
    return
  }
}

module attributes {stable_mosaic.version = 14 : i64} {
  func.func @_expert_kernel(%arg0: i32, %arg1: memref<64x1024xbf16, #tpu.memory_space<vmem>>, %arg2: memref<1024x2048xbf16, #tpu.memory_space<vmem>>, %arg3: memref<32x2048xf32, #tpu.memory_space<vmem>>) attributes {dimension_semantics = [#tpu.dimension_semantics<arbitrary>], iteration_bounds = array<i64: 16>, scalar_prefetch = 0 : i64, scratch_operands = 0 : i64, tpu.core_type = #tpu.core_type<tc>, window_params = [{pipeline_mode = #tpu.pipeline_mode<synchronous>, transform_indices = @transform_0, window_bounds = array<i64: 64, 1024>}, {transform_indices = @transform_1, window_bounds = array<i64: 1024, 2048>}, {pipeline_mode = #tpu.pipeline_mode<synchronous>, transform_indices = @transform_2, window_bounds = array<i64: 32, 2048>}]} {
    %get3A = arith.constant 0 : index
    %get3A_0 = arith.constant 0 : index
    %get3A_1 = vector.load %arg2[%get3A, %get3A_0] : memref<1024x2048xbf16, #tpu.memory_space<vmem>>, vector<1024x2048xbf16>
    %get3A_2 = arith.constant 0 : index
    %get3A_3 = arith.constant 0 : index
    %get3A_4 = vector.load %arg1[%get3A_2, %get3A_3] : memref<64x1024xbf16, #tpu.memory_space<vmem>>, vector<64x1024xbf16>
    %dot_general3A = arith.constant dense<0.000000e+00> : vector<64x2048xf32>
    %dot_general3A_5 = tpu.matmul %get3A_4, %get3A_1, %dot_general3A {dimension_numbers = #tpu.dot_dimension_numbers<[1], [0], [0], [1], [0, 0, 1, 1], [], []>, transpose_lhs_hint = false} : vector<64x1024xbf16>, vector<1024x2048xbf16>, vector<64x2048xf32> -> vector<64x2048xf32>
    %slice3A = vector.extract_strided_slice %dot_general3A_5 {offsets = [0, 0], sizes = [32, 2048], strides = [1, 1]} : vector<64x2048xf32> to vector<32x2048xf32>
    %slice3A_6 = vector.extract_strided_slice %dot_general3A_5 {offsets = [32, 0], sizes = [32, 2048], strides = [1, 1]} : vector<64x2048xf32> to vector<32x2048xf32>
    %iota3A = tpu.iota {dimensions = array<i32: 1>} : vector<32x2048xi32>
    %jit3A = arith.constant 2 : i32
    %eq3A = arith.constant 0 : i32
    %eq3A_7 = arith.cmpi eq, %jit3A, %eq3A : i32
    %jit3A_8 = arith.constant 1 : i32
    %select_n3A = arith.select %eq3A_7, %jit3A_8, %jit3A : i32
    %rem3A = vector.broadcast %select_n3A : i32 to vector<32x2048xi32>
    %rem3A_9 = arith.remsi %iota3A, %rem3A : vector<32x2048xi32>
    %ne3A = arith.constant 0 : i32
    %ne3A_10 = vector.broadcast %ne3A : i32 to vector<32x2048xi32>
    %ne3A_11 = arith.cmpi ne, %rem3A_9, %ne3A_10 : vector<32x2048xi32>
    %lt3A = arith.constant 0 : i32
    %lt3A_12 = vector.broadcast %lt3A : i32 to vector<32x2048xi32>
    %lt3A_13 = arith.cmpi slt, %rem3A_9, %lt3A_12 : vector<32x2048xi32>
    %lt3A_14 = arith.constant 0 : i32
    %lt3A_15 = arith.cmpi slt, %select_n3A, %lt3A_14 : i32
    %ne3A_16 = vector.broadcast %lt3A_15 : i1 to vector<32x2048xi1>
    %ne3A_17 = vector.broadcast %ne3A_16 : vector<32x2048xi1> to vector<32x2048xi1>
    %ne3A_18 = arith.xori %lt3A_13, %ne3A_17 : vector<32x2048xi1>
    %and3A = arith.andi %ne3A_18, %ne3A_11 : vector<32x2048xi1>
    %add3A = vector.broadcast %select_n3A : i32 to vector<32x2048xi32>
    %add3A_19 = arith.addi %rem3A_9, %add3A : vector<32x2048xi32>
    %select_n3A_20 = arith.select %and3A, %add3A_19, %rem3A_9 : vector<32x2048xi1>, vector<32x2048xi32>
    %eq3A_21 = arith.constant 0 : i32
    %eq3A_22 = vector.broadcast %eq3A_21 : i32 to vector<32x2048xi32>
    %eq3A_23 = arith.cmpi eq, %select_n3A_20, %eq3A_22 : vector<32x2048xi32>
    %roll3A = arith.constant 2047 : i32
    %roll3A_24 = tpu.dynamic_rotate %slice3A_6 by %roll3A dim 1 : vector<32x2048xf32>, i32 -> vector<32x2048xf32>
    %roll3A_25 = arith.constant 1 : i32
    %roll3A_26 = tpu.dynamic_rotate %slice3A_6 by %roll3A_25 dim 1 : vector<32x2048xf32>, i32 -> vector<32x2048xf32>
    %select_n3A_27 = arith.select %eq3A_23, %roll3A_24, %roll3A_26 : vector<32x2048xi1>, vector<32x2048xf32>
    %neg3A = arith.constant 0.000000e+00 : f32
    %neg3A_28 = vector.broadcast %neg3A : f32 to vector<32x2048xf32>
    %neg3A_29 = arith.subf %neg3A_28, %select_n3A_27 : vector<32x2048xf32>
    %select_n3A_30 = arith.select %eq3A_23, %neg3A_29, %select_n3A_27 : vector<32x2048xi1>, vector<32x2048xf32>
    %add3A_31 = arith.addf %slice3A, %select_n3A_30 : vector<32x2048xf32>
    %iota3A_32 = tpu.iota {dimensions = array<i32: 0>} : vector<32x2048xi32>
    %jit3A_33 = arith.constant 2 : i32
    %div3A = vector.broadcast %jit3A_33 : i32 to vector<32x2048xi32>
    %div3A_34 = arith.divsi %iota3A_32, %div3A : vector<32x2048xi32>
    %sign3A = arith.constant 0 : i32
    %sign3A_35 = vector.broadcast %sign3A : i32 to vector<32x2048xi32>
    %sign3A_36 = arith.cmpi sgt, %iota3A_32, %sign3A_35 : vector<32x2048xi32>
    %sign3A_37 = arith.extui %sign3A_36 : vector<32x2048xi1> to vector<32x2048xi32>
    %sign3A_38 = arith.constant 0 : i32
    %sign3A_39 = vector.broadcast %sign3A_38 : i32 to vector<32x2048xi32>
    %sign3A_40 = arith.cmpi slt, %iota3A_32, %sign3A_39 : vector<32x2048xi32>
    %sign3A_41 = arith.extui %sign3A_40 : vector<32x2048xi1> to vector<32x2048xi32>
    %sign3A_42 = arith.subi %sign3A_37, %sign3A_41 : vector<32x2048xi32>
    %sign3A_43 = arith.constant 0 : i32
    %sign3A_44 = arith.cmpi sgt, %jit3A_33, %sign3A_43 : i32
    %sign3A_45 = arith.extui %sign3A_44 : i1 to i32
    %sign3A_46 = arith.constant 0 : i32
    %sign3A_47 = arith.cmpi slt, %jit3A_33, %sign3A_46 : i32
    %sign3A_48 = arith.extui %sign3A_47 : i1 to i32
    %sign3A_49 = arith.subi %sign3A_45, %sign3A_48 : i32
    %ne3A_50 = vector.broadcast %sign3A_49 : i32 to vector<32x2048xi32>
    %ne3A_51 = arith.cmpi ne, %sign3A_42, %ne3A_50 : vector<32x2048xi32>
    %rem3A_52 = vector.broadcast %jit3A_33 : i32 to vector<32x2048xi32>
    %rem3A_53 = arith.remsi %iota3A_32, %rem3A_52 : vector<32x2048xi32>
    %ne3A_54 = arith.constant 0 : i32
    %ne3A_55 = vector.broadcast %ne3A_54 : i32 to vector<32x2048xi32>
    %ne3A_56 = arith.cmpi ne, %rem3A_53, %ne3A_55 : vector<32x2048xi32>
    %and3A_57 = arith.andi %ne3A_51, %ne3A_56 : vector<32x2048xi1>
    %sub3A = arith.constant 1 : i32
    %sub3A_58 = vector.broadcast %sub3A : i32 to vector<32x2048xi32>
    %sub3A_59 = arith.subi %div3A_34, %sub3A_58 : vector<32x2048xi32>
    %select_n3A_60 = arith.select %and3A_57, %sub3A_59, %div3A_34 : vector<32x2048xi1>, vector<32x2048xi32>
    %eq3A_61 = vector.broadcast %arg0 : i32 to vector<32x2048xi32>
    %eq3A_62 = arith.cmpi eq, %select_n3A_60, %eq3A_61 : vector<32x2048xi32>
    %get3A_63 = arith.constant 0 : index
    %get3A_64 = arith.constant 0 : index
    %get3A_65 = vector.load %arg3[%get3A_63, %get3A_64] : memref<32x2048xf32, #tpu.memory_space<vmem>>, vector<32x2048xf32>
    %select_n3A_66 = arith.select %eq3A_62, %add3A_31, %get3A_65 : vector<32x2048xi1>, vector<32x2048xf32>
    %swap3A = arith.constant 0 : index
    %swap3A_67 = arith.constant 0 : index
    %swap3A_68 = vector.load %arg3[%swap3A, %swap3A_67] : memref<32x2048xf32, #tpu.memory_space<vmem>>, vector<32x2048xf32>
    tpu.vector_store %arg3[%swap3A, %swap3A_67], %select_n3A_66 {strides = array<i32>} : memref<32x2048xf32, #tpu.memory_space<vmem>>, vector<32x2048xf32>,
    return
  }
  func.func @transform_0(%arg0: i32) -> (i32, i32) {
    %c0_i32 = arith.constant 0 : i32
    %c0_i32_0 = arith.constant 0 : i32
    %c0_i32_1 = arith.constant 0 : i32
    return %c0_i32, %c0_i32_0 : i32, i32
  }
  func.func @transform_1(%arg0: i32) -> (i32, i32) {
    %c0_i32 = arith.constant 0 : i32
    %c0_i32_0 = arith.constant 0 : i32
    return %arg0, %c0_i32 : i32, i32
  }
  func.func @transform_2(%arg0: i32) -> (i32, i32) {
    %c0_i32 = arith.constant 0 : i32
    %c0_i32_0 = arith.constant 0 : i32
    %c0_i32_1 = arith.constant 0 : i32
    return %c0_i32, %c0_i32_0 : i32, i32
  }
}

module attributes {stable_mosaic.version = 14 : i64} {
  func.func @_combine_kernel(%arg0: i32, %arg1: memref<1x1x32xi32, #tpu.memory_space<vmem>>, %arg2: memref<1x1x32xf32, #tpu.memory_space<vmem>>, %arg3: memref<32x2048xf32, #tpu.memory_space<vmem>>, %arg4: memref<1x2048xf32, #tpu.memory_space<vmem>>, %arg5: memref<512x2048xf32, #tpu.memory_space<vmem>>, %arg6: memref<512x1xf32, #tpu.memory_space<vmem>>) attributes {dimension_semantics = [#tpu.dimension_semantics<arbitrary>], iteration_bounds = array<i64: 8>, scalar_prefetch = 0 : i64, scratch_operands = 0 : i64, tpu.core_type = #tpu.core_type<tc>, window_params = [{pipeline_mode = #tpu.pipeline_mode<synchronous>, transform_indices = @transform_0, window_bounds = array<i64: 1, 1, 32>}, {pipeline_mode = #tpu.pipeline_mode<synchronous>, transform_indices = @transform_1, window_bounds = array<i64: 1, 1, 32>}, {pipeline_mode = #tpu.pipeline_mode<synchronous>, transform_indices = @transform_2, window_bounds = array<i64: 32, 2048>}, {pipeline_mode = #tpu.pipeline_mode<synchronous>, transform_indices = @transform_3, window_bounds = array<i64: 1, 2048>}, {transform_indices = @transform_4, window_bounds = array<i64: 512, 2048>}, {transform_indices = @transform_5, window_bounds = array<i64: 512, 1>}]} {
    %iota3A = tpu.iota {dimensions = array<i32: 0>} : vector<512x32xi32>
    %mul3A = arith.constant 512 : i32
    %mul3A_0 = arith.muli %arg0, %mul3A : i32
    %add3A = vector.broadcast %mul3A_0 : i32 to vector<512x32xi32>
    %add3A_1 = arith.addi %iota3A, %add3A : vector<512x32xi32>
    %get3A = arith.constant 0 : index
    %get3A_2 = arith.constant 0 : index
    %get3A_3 = arith.constant 0 : index
    %get3A_4 = vector.load %arg1[%get3A, %get3A_2, %get3A_3] : memref<1x1x32xi32, #tpu.memory_space<vmem>>, vector<1x1x32xi32>
    %get3A_5 = vector.shape_cast %get3A_4 : vector<1x1x32xi32> to vector<1x32xi32>
    %eq3A = vector.broadcast %get3A_5 : vector<1x32xi32> to vector<512x32xi32>
    %eq3A_6 = arith.cmpi eq, %add3A_1, %eq3A : vector<512x32xi32>
    %jit3A = arith.constant 1.000000e+00 : f32
    %jit3A_7 = arith.constant 0.000000e+00 : f32
    %broadcast_in_dim3A = vector.broadcast %jit3A : f32 to vector<512x32xf32>
    %broadcast_in_dim3A_8 = vector.broadcast %jit3A_7 : f32 to vector<512x32xf32>
    %select_n3A = arith.select %eq3A_6, %broadcast_in_dim3A, %broadcast_in_dim3A_8 : vector<512x32xi1>, vector<512x32xf32>
    %get3A_9 = arith.constant 0 : index
    %get3A_10 = arith.constant 0 : index
    %get3A_11 = arith.constant 0 : index
    %get3A_12 = vector.load %arg2[%get3A_9, %get3A_10, %get3A_11] : memref<1x1x32xf32, #tpu.memory_space<vmem>>, vector<1x1x32xf32>
    %get3A_13 = vector.shape_cast %get3A_12 : vector<1x1x32xf32> to vector<1x32xf32>
    %mul3A_14 = vector.broadcast %get3A_13 : vector<1x32xf32> to vector<512x32xf32>
    %mul3A_15 = arith.mulf %select_n3A, %mul3A_14 : vector<512x32xf32>
    %get3A_16 = arith.constant 0 : index
    %get3A_17 = arith.constant 0 : index
    %get3A_18 = vector.load %arg3[%get3A_16, %get3A_17] : memref<32x2048xf32, #tpu.memory_space<vmem>>, vector<32x2048xf32>
    %dot_general3A = arith.constant dense<0.000000e+00> : vector<512x2048xf32>
    %dot_general3A_19 = tpu.matmul %mul3A_15, %get3A_18, %dot_general3A {dimension_numbers = #tpu.dot_dimension_numbers<[1], [0], [0], [1], [0, 0, 1, 1], [], []>, transpose_lhs_hint = false} : vector<512x32xf32>, vector<32x2048xf32>, vector<512x2048xf32> -> vector<512x2048xf32>
    %reduce_sum3A = arith.constant dense<0.000000e+00> : vector<512xf32>
    %reduce_sum3A_20 = vector.multi_reduction <add>, %select_n3A, %reduce_sum3A [1] : vector<512x32xf32> to vector<512xf32>
    %broadcast_in_dim3A_21 = vector.shape_cast %reduce_sum3A_20 : vector<512xf32> to vector<512x1xf32>
    %max3A = arith.constant 1.000000e+00 : f32
    %max3A_22 = vector.broadcast %max3A : f32 to vector<512x1xf32>
    %max3A_23 = arith.maximumf %broadcast_in_dim3A_21, %max3A_22 : vector<512x1xf32>
    %div3A = vector.broadcast %max3A_23 : vector<512x1xf32> to vector<512x2048xf32>
    %div3A_24 = arith.divf %dot_general3A_19, %div3A : vector<512x2048xf32>
    %get3A_25 = arith.constant 0 : index
    %get3A_26 = arith.constant 0 : index
    %get3A_27 = vector.load %arg4[%get3A_25, %get3A_26] : memref<1x2048xf32, #tpu.memory_space<vmem>>, vector<1x2048xf32>
    %add3A_28 = vector.broadcast %get3A_27 : vector<1x2048xf32> to vector<512x2048xf32>
    %add3A_29 = arith.addf %div3A_24, %add3A_28 : vector<512x2048xf32>
    %mul3A_30 = arith.constant 5.000000e-01 : f32
    %mul3A_31 = vector.broadcast %mul3A_30 : f32 to vector<512x2048xf32>
    %mul3A_32 = arith.mulf %mul3A_31, %add3A_29 : vector<512x2048xf32>
    %mul3A_33 = arith.constant 0.707106769 : f32
    %mul3A_34 = vector.broadcast %mul3A_33 : f32 to vector<512x2048xf32>
    %mul3A_35 = arith.mulf %add3A_29, %mul3A_34 : vector<512x2048xf32>
    %erf3A = math.erf %mul3A_35 : vector<512x2048xf32>
    %add3A_36 = arith.constant 1.000000e+00 : f32
    %add3A_37 = vector.broadcast %add3A_36 : f32 to vector<512x2048xf32>
    %add3A_38 = arith.addf %add3A_37, %erf3A : vector<512x2048xf32>
    %mul3A_39 = arith.mulf %mul3A_32, %add3A_38 : vector<512x2048xf32>
    %swap3A = arith.constant 0 : index
    %swap3A_40 = arith.constant 0 : index
    %swap3A_41 = vector.load %arg5[%swap3A, %swap3A_40] : memref<512x2048xf32, #tpu.memory_space<vmem>>, vector<512x2048xf32>
    tpu.vector_store %arg5[%swap3A, %swap3A_40], %mul3A_39 {strides = array<i32>} : memref<512x2048xf32, #tpu.memory_space<vmem>>, vector<512x2048xf32>,
    %swap3A_42 = arith.constant 0 : index
    %swap3A_43 = arith.constant 0 : index
    %swap3A_44 = vector.load %arg6[%swap3A_42, %swap3A_43] : memref<512x1xf32, #tpu.memory_space<vmem>>, vector<512x1xf32>
    tpu.vector_store %arg6[%swap3A_42, %swap3A_43], %broadcast_in_dim3A_21 {strides = array<i32>} : memref<512x1xf32, #tpu.memory_space<vmem>>, vector<512x1xf32>,
    return
  }
  func.func @transform_0(%arg0: i32) -> (i32, i32, i32) {
    %c0_i32 = arith.constant 0 : i32
    %c0_i32_0 = arith.constant 0 : i32
    %c0_i32_1 = arith.constant 0 : i32
    %c0_i32_2 = arith.constant 0 : i32
    return %c0_i32, %c0_i32_0, %c0_i32_1 : i32, i32, i32
  }
  func.func @transform_1(%arg0: i32) -> (i32, i32, i32) {
    %c0_i32 = arith.constant 0 : i32
    %c0_i32_0 = arith.constant 0 : i32
    %c0_i32_1 = arith.constant 0 : i32
    %c0_i32_2 = arith.constant 0 : i32
    return %c0_i32, %c0_i32_0, %c0_i32_1 : i32, i32, i32
  }
  func.func @transform_2(%arg0: i32) -> (i32, i32) {
    %c0_i32 = arith.constant 0 : i32
    %c0_i32_0 = arith.constant 0 : i32
    %c0_i32_1 = arith.constant 0 : i32
    return %c0_i32, %c0_i32_0 : i32, i32
  }
  func.func @transform_3(%arg0: i32) -> (i32, i32) {
    %c0_i32 = arith.constant 0 : i32
    %c0_i32_0 = arith.constant 0 : i32
    %c0_i32_1 = arith.constant 0 : i32
    return %c0_i32, %c0_i32_0 : i32, i32
  }
  func.func @transform_4(%arg0: i32) -> (i32, i32) {
    %c0_i32 = arith.constant 0 : i32
    %c0_i32_0 = arith.constant 0 : i32
    return %arg0, %c0_i32 : i32, i32
  }
  func.func @transform_5(%arg0: i32) -> (i32, i32) {
    %c0_i32 = arith.constant 0 : i32
    %c0_i32_0 = arith.constant 0 : i32
    return %arg0, %c0_i32 : i32, i32
  }
}

</mosaic_0001>

<sc_bundles>
// kernel: sparse-core-data-format-call.1.cloned.1.call-start
scs
called_computation.1_lowered:
.L_overlay_start_0:
0x0: {  	s1 =	sld [smem:$0x3FD9]  }
0x1: {  	s2 =	sld [smem:$0x3FFE];
	_ =	sdelay $0x1  }
0x2: {  	s3 =	srdreg.scid  }
0x3: {  	s0 =	sand.u32 $0x1, s3  }
0x4: {  	s17 =	sshll.u32 s0, $0xA;
	s1 =	sadd.s32 s2, s1  }
0x5: {  	s1 =	sadd.s32 s1, s17  }
0x6: {  	[smem:$0x3FC4] =	sst s1  }
0x7: {  	_ = 	snop  }
0x8: {  	(tm) =	ssettm $0x1  }
0x9: {  	s18 =	sld [smem:$0x3FFB];
	_ =	sdelay $0x3  }
0xa: {  	_ =	strace s18  }
0xb: {  	s1 =	sld [smem:$0x3FFC];
	_ =	sdelay $0x3  }
0xc: {  	_ =	strace s1  }
0xd: {  	s1 =	sld [smem:$0x3FFD];
	_ =	sdelay $0x3  }
0xe: {  	_ =	strace s1  }
0xf: {  	_ =	strace $0x8FFFFFFF  }
0x10: {  	s19 =	sld [smem:$0x3FDB];
	_ =	sdelay $0x1  }
0x11: {  	s20 =	simm.s32 $_scs_section_size  }
0x12: {  	s4 =	simm.s32 $_size__tile_overlayer_lowered;
	s5 =	simm.s32 $_tile_overlayer_lowered  }
0x13: {  	s23 =	simm.s32 $0x1BFF;
	s22 =	sshll.u32 s5, $0x1;
	s1 =	sadd.s32 s20, s19  }
0x14: {  	s6 =	simm.s32 $0x0;
	s21 =	sshll.u32 s4, $0x1;
	s4 =	sadd.s32 s22, s1  }
0x15: {  	[timem:s6], [sflag:s23] =	dma.local [hbm:s4], s21  }
0x16: {  	_ =	swait.ge [sflag:s23], s21  }
0x17: {  	s2 =	ssub.s32 $0x0, s21;
	[sflag:s23] =	ssyncset.done $0x0  }
0x18: {  	[sflag:s23] =	ssyncadd.s32 s2;
	_ =	sdelay $0x1  }
0x19: {  	s24 =	simm.s32 $0x1B8B  }
0x1a: {  	_ =	swait.ge [sflag:s24], $0x1  }
0x1b: {  	[sflag:s24] =	ssyncset.done $0x0  }
0x1c: {  	s26 =	simm.s32 $0x1B8E;
	s25 =	sld [smem:$0x3FFE];
	[sflag:s24] =	ssyncadd.s32 $0xFFFFFFFF  }
0x1d: {  	s27 =	simm.s32 $execute0_lowered;
	[smem:$0x3FD2] =	sst s26  }
0x1e: {  	s4 =	sshll.u32 s27, $0x1;
	_ =	strace $0x80000049;
	[dreg:$0x1] =	wrdreg $0xFFFFFFFF  }
0x1f: {  	s28 =	simm.s32 $_size_execute0_lowered;
	s1 =	sadd.s32 s1, s4;
	[dreg:$0x0] =	wrdreg $0x0  }
0x20: {  	s4 =	sshll.u32 s28, $0x1;
	[dreg:$0x2] =	wrdreg s1  }
0x21: {  	[dreg:$0x3] =	wrdreg s4  }
0x22: {  	[dreg:$0x4] =	wrdreg $0xC0  }
0x23: {  	_ =	task [dreg:s6], $0x5FFFF  }
0x24: {  	[dreg:$0x1] =	wrdreg $0xFFFFFFFF  }
0x25: {  	[dreg:$0x0] =	wrdreg $0x60  }
0x26: {  	[dreg:$0x2] =	wrdreg s25  }
0x27: {  	[dreg:$0x3] =	wrdreg $0x9  }
0x28: {  	_ =	task.clear_ibuf [dreg:s6], $0x4FFFF;
	_ =	strace $0x90000049  }
0x29: {  	s29 =	simm.s32 $0x9;
	_ =	strace $0x8000004B  }
0x2a: {  	_ =	swait.ge [sflag:s29], $0x1  }
0x2b: {  	[sflag:s29] =	ssyncadd.s32 $0xFFFFFFFF  }
0x2c: {  	_ =	strace $0x9000004B  }
0x2d: {  	_ =	sfence  }
0x2e: {  	s30 =	sld [smem:$0x0];
	_ =	sdelay $0x2  }
0x2f: {  	s31 =	sshll.u32 s3, $0xD;
	s3 =	sshrl.u32 s3, $0x2  }
0x30: {  	s2 =	sand.u32 $0x4000, s31;
	s1 =	sadd.s32 s3, s30  }
0x31: {  	s0 =	sor.u32 s2, s0;
	s1 =	sshll.u32 s1, $0x11  }
0x32: {  	s0 =	sor.u32 s1, s0  }
0x33: {  	s0 =	sadd.s32 $0x8F2B, s0  }
0x34: {  	[sflag:s0] =	ssyncadd.remote.s32 $0x1  }
0x35: {  	_ =	sfence.sel $0xFFFF  }
0x36: {  	[dreg:$0x0] =	wrdreg $0xFFFFFFFF;
	(pc) =	sbr.abs _section_cstart, $3  }
0x37: {  	[dreg:$0x1] =	wrdreg $0xFFFFFFFF  }
0x38: {  	_ =	task.clear_ibuf [dreg:s6], $0x2FFFF;
	_ =	strace $0x9FFFFFFF  }
0x39: {  	(tm) =	ssettm $0x7FFFFFFF  }
tec
execute0_lowered:
.L_overlay_start_1:
0x0: {  	(tag) =	ssettag $0x1  }
0x1: {  	s1 =	rddreg [dreg:$0x0]  }
0x2: {  	s0 =	rddreg [dreg:$0x1]  }
0x3: {  	_ =	strace $0x8000004A;
	s4 =	srdreg.scid;
	s6 =	simm.s32 $0x2  }
0x4: {  	s12 =	simm.s32 $0x0;
	p0 =	por $0x0, $0x0;
	s13 =	simm.s32 $0x0  }
0x5: {  	s15 =	simm.s32 $0x0;
	s14 =	simm.s32 $0x0;
	s8 =	simm.s32 $0x0  }
.Ltmp0:
0x6: {  	s9 =	simm.s32 $0x0;
	s10 =	simm.s32 $0x0;
	(pc) =	sbr.rel .LBB1_1-.Ltmp0, $4  }
0x7: {  	s2 =	sadd.s32 $0x201600, s1;
	s3 =	sadd.s32 $0x1600, s1;
	s5 =	sshll.u32 s4, $0x4  }
0x8: {  	s1 =	stileid.u32;
	s4 =	simm.s32 $0x1;
	s5 =	sand.u32 $0x10, s5  }
0x9: {  	s7 =	simm.s32 $0x0;
	[sflag:s4] =	ssyncpa.u1 $0x0;
	s5 =	sor.u32 s1, s5  }
0xa: {  	[sflag:s6] =	ssyncpa.u1 $0x0;
	s6 =	simm.s32 $0x1000;
	s11 =	smov.u32 s5  }
.LBB1_9:
0xb: {  	s16 =	sadd.s32 $0x200, s8  }
0xc: {  	s12 =	sadd.s32 $0x8, s9;
	s17 =	smov.u32 s9;
	p2 =	sgt.s32 s16, $0x3FF  }
0xd: {  	s17 =	smov.u32 @p2 s12  }
0xe: {  	s18 =	smov.u32 s10;
	s12 =	sadd.s32 $0x8, s10;
	p3 =	sgt.s32 s17, $0xF  }
0xf: {  	s18 =	smov.u32 @p3 s12  }
0x10: {  	s19 =	smov.u32 s11;
	s12 =	sadd.s32 $0x20, s11;
	p4 =	sgt.s32 s18, $0x7  }
0x11: {  	p1 =	slt.u32 s7, $0x2;
	s19 =	smov.u32 @p4 s12  }
0x12: {  	s7 =	sadd.s32 $0x1, s7;
	s16 =	simm.s32 @p2 $0x0;
	p2 =	sgt.s32 s19, $0xFF  }
0x13: {  	s20 =	simm.s32 @!p1 $0x2;
	s19 =	smov.u32 @p2 s5;
	p2 =	sne.s32 s7, $0x22  }
.Ltmp1:
0x14: {  	s13 =	smov.u32 s9;
	_ =	swait.ge @!p1 [sflag:s20], $0x4000;
	(pc) =	sbr.rel @!p2 .LBB1_10-.Ltmp1, $4  }
0x15: {  	s15 =	smov.u32 s10;
	s14 =	smov.u32 s11;
	[sflag:s20] =	ssyncset.done @!p1 $0x0  }
0x16: {  	p0 =	por !p0, !p0;
	s17 =	simm.s32 @p3 $0x0;
	[sflag:s20] =	ssyncadd.s32 @!p1 $0xFFFFC000  }
0x17: {  	s9 =	smov.u32 s17;
	s18 =	simm.s32 @p4 $0x0;
	s12 =	smov.u32 s8  }
0x18: {  	s8 =	smov.u32 s16;
	s10 =	smov.u32 s18;
	s11 =	smov.u32 s19  }
.LBB1_1:
0x19: {  	p1 =	sgt.u32 s7, $0x1F  }
0x1a: {  	s16 =	sshll.u32 @!p1 s9, $0xA  }
0x1b: {  	s17 =	sxor.u32 @!p1 $0xFFFFFFFF, s7;
	s18 =	sshll.u32 @!p1 s8, $0x3;
	s16 =	sand.u32 @!p1 $0x2000, s16  }
0x1c: {  	s19 =	sshll.u32 @!p1 s8, $0x1;
	s16 =	sadd.s32 @!p1 s16, s18;
	s18 =	sshll.u32 @!p1 s9, $0x7  }
0x1d: {  	s20 =	sshll.u32 @!p1 s11, $0xD;
	s19 =	sand.u32 @!p1 $0xF0, s19;
	s18 =	sand.u32 @!p1 $0x300, s18  }
0x1e: {  	s20 =	sadd.s32 @!p1 s2, s20;
	s18 =	sor.u32 @!p1 s18, s19;
	s19 =	sshll.u32 @!p1 s10, $0xA  }
0x1f: {  	s16 =	sshrl.u32 @!p1 s16, $0x4;
	s18 =	sshrl.u32 @!p1 s18, $0x4;
	s19 =	sadd.s32 @!p1 s19, s20  }
0x20: {  	s16 =	sand.u32 @!p1 $0x3C0, s16;
	s18 =	sadd.s32 @!p1 s18, s19;
	s19 =	sand.u32 @!p1 $0x7, s8  }
0x21: {  	s17 =	sshll.u32 @!p1 s17, $0xE;
	s16 =	sadd.s32 @!p1 s16, s18;
	s18 =	sshll.u32 @!p1 s19, $0x12  }
0x22: {  	s17 =	sand.u32 @!p1 $0x4000, s17;
	s19 =	simm.s32 @!p1 $0x2000;
	s18 =	sor.u32 @!p1 $0x800, s18  }
0x23: {  	[tilespmem:s17], [sflag:$0x1] =	stream.strided.gather @!p1 [hbm4b:s16+s18], $0x4000, s19, s18, $0x38;
	[tilespmem:$0x10000] =	vst v63  }
0x24: {  	p1 =	seq.s32 s7, $0x0  }
0x25: {  	p2 =	seq.s32 @!p1 s7, $0x21  }
0x26: {  	p1 =	por p1, p2  }
.Ltmp2:
0x27: {  	_ = 	snop;
	(pc) =	sbr.rel @p1 .LBB1_9-.Ltmp2, $1  }
0x28: {  	_ =	sdelay $0x3  }
0x29: {  	s16 =	simm.s32 $0x1;
	_ =	swait.ge [sflag:s4], $0x4000;
	s18 =	sshll.u32 s7, $0xE  }
0x2a: {  	s20 =	simm.s32 $0x0;
	p1 =	por $0x0, $0x0;
	s16 =	simm.s32 @!p0 $0x0  }
0x2b: {  	[sflag:s4] =	ssyncset.done $0x0;
	s18 =	sand.u32 $0x4000, s18;
	s16 =	sshll.u32 s16, $0x10  }
0x2c: {  	[sflag:s4] =	ssyncadd.s32 $0xFFFFC000;
	s17 =	sshrl.u32 s16, $0x2;
	s19 =	sshrl.u32 s16, $0x2  }
0x2d: {  	s16 =	sor.u32 $0x8000, s18;
	s18 =	sadd.s32 $0x8870, s19;
	s19 =	simm.s32 $0x0  }
.LBB1_3:
0x2e: {  	s21 =	simm.s32 $0x1  }
0x2f: {  	s22 =	sshll.u32 s19, $0x1;
	s21 =	simm.s32 @!p1 $0x0  }
0x30: {  	s22 =	sand.u32 $0xFFFFFC00, s22;
	s21 =	sshll.u32 s21, $0x9  }
0x31: {  	s21 =	sor.u32 s21, s22  }
0x32: {  	p2 =	por $0x0, $0x0;
	s21 =	sshrl.u32 s21, $0x2  }
0x33: {  	s23 =	simm.s32 $0x0;
	s22 =	simm.s32 $0x0;
	s21 =	sadd.s32 s21, s18  }
.LBB1_4:
0x34: {  	s24 =	simm.s32 $0x1  }
0x35: {  	s25 =	sshll.u32 s22, $0x2;
	s24 =	simm.s32 @!p2 $0x0  }
0x36: {  	s25 =	sand.u32 $0xFFFFFC00, s25;
	s24 =	sshll.u32 s24, $0x9  }
0x37: {  	s24 =	sor.u32 s24, s25  }
0x38: {  	s24 =	sshrl.u32 s24, $0x2  }
0x39: {  	s24 =	sadd.s32 s24, s17  }
0x3a: {  	v1 =	vmov s24;
	_ =	sdelay $0x3  }
0x3b: {  	s24 =	simm.s32 $0x0  }
0x3c: {  	v2 =	vld.idx.msk [tilespmem:v1+s24+$0x70 ss:$0x1], $0xffff  }
0x3d: {  	v3 =	vld.idx.msk [tilespmem:v1+s24+$0x870 ss:$0x1], $0xffff  }
0x3e: {  	v4 =	vld.idx.msk [tilespmem:v1+s24+$0x0 ss:$0x1], $0xffff  }
0x3f: {  	v5 =	vld.idx.msk [tilespmem:v1+s24+$0x800 ss:$0x1], $0xffff  }
0x40: {  	v6 =	vld.idx.msk [tilespmem:v1+s24+$0x10 ss:$0x1], $0xffff  }
0x41: {  	v7 =	vld.idx.msk [tilespmem:v1+s24+$0x810 ss:$0x1], $0xffff;
	_ =	sdelay $0x1  }
0x42: {  	v0 =	vmov s21;
	v9 =	vld.idx.msk [tilespmem:v1+s24+$0x20 ss:$0x1], $0xffff;
	v8 =	vunpack.i.l.s16.s32 v2  }
0x43: {  	v12 =	vld.idx.msk [tilespmem:v1+s24+$0x820 ss:$0x1], $0xffff;
	v10 =	vunpack.i.l.s16.s32 v3;
	v2 =	vunpack.i.u.s16.s32 v2;
	v3 =	vunpack.i.u.s16.s32 v3  }
0x44: {  	v13 =	vld.idx.msk [tilespmem:v1+s24+$0x30 ss:$0x1], $0xffff;
	v11 =	vunpack.i.u.s16.s32 v4;
	v14 =	vunpack.i.u.s16.s32 v5;
	v5 =	vunpack.i.l.s16.s32 v5  }
0x45: {  	v15 =	vld.idx.msk [tilespmem:v1+s24+$0x830 ss:$0x1], $0xffff;
	v16 =	vunpack.i.u.s16.s32 v6;
	v17 =	vunpack.i.l.s16.s32 v6;
	v18 =	vunpack.i.u.s16.s32 v7  }
0x46: {  	v7 =	vunpack.i.l.s16.s32 v7;
	v6 =	vld.idx.msk [tilespmem:v1+s24+$0x850 ss:$0x1], $0xffff;
	v8 =	vpack.i.b32.b16 v10, v8;
	v10 =	vunpack.i.l.s16.s32 v4  }
0x47: {  	v3 =	vpack.i.b32.b16 v3, v2;
	v2 =	vld.idx.msk [tilespmem:v1+s24+$0x40 ss:$0x1], $0xffff;
	v7 =	vpack.i.b32.b16 v7, v17;
	[tilespmem:v0+s24+$0xFFFFF800 ss:$0x1] =	vst.idx.msk $0xffff, v8  }
0x48: {  	v4 =	vld.idx.msk [tilespmem:v1+s24+$0x840 ss:$0x1], $0xffff;
	v16 =	vpack.i.b32.b16 v18, v16;
	v5 =	vpack.i.b32.b16 v5, v10;
	[tilespmem:v0+s24+$0xFFFFF7A0 ss:$0x1] =	vst.idx.msk $0xffff, v7  }
0x49: {  	v8 =	vunpack.i.u.s16.s32 v9;
	v10 =	vunpack.i.l.s16.s32 v9;
	v9 =	vunpack.i.u.s16.s32 v13;
	[tilespmem:v0+s24+$0x0 ss:$0x1] =	vst.idx.msk $0xffff, v3;
	v3 =	vld.idx.msk [tilespmem:v1+s24+$0x50 ss:$0x1], $0xffff  }
0x4a: {  	v13 =	vunpack.i.l.s16.s32 v13;
	v7 =	vld.idx.msk [tilespmem:v1+s24+$0x860 ss:$0x1], $0xffff;
	[tilespmem:v0+s24+$0xFFFFF790 ss:$0x1] =	vst.idx.msk $0xffff, v5;
	v5 =	vpack.i.b32.b16 v14, v11;
	v11 =	vunpack.i.u.s16.s32 v12  }
0x4b: {  	s26 =	simm.s32 $0x800;
	s25 =	simm.s32 $0x0;
	v14 =	vunpack.i.l.s16.s32 v12;
	v12 =	vunpack.i.u.s16.s32 v15;
	v15 =	vunpack.i.l.s16.s32 v15;
	[tilespmem:v0+s24+$0xFFFFFF90 ss:$0x1] =	vst.idx.msk $0xffff, v5;
	v5 =	vld.idx.msk [tilespmem:v1+s24+$0x60 ss:$0x1], $0xffff  }
.LBB1_5:
0x4c: {  	s27 =	sshra.s32 s26, $0x2;
	[tilespmem:v0+s24+$0xFFFFFFA0 ss:$0x1] =	vst.idx.msk $0xffff, v16;
	v10 =	vpack.i.b32.b16 v14, v10;
	v14 =	vunpack.i.u.s16.s32 v2;
	v2 =	vunpack.i.l.s16.s32 v2  }
0x4d: {  	v8 =	vpack.i.b32.b16 v11, v8;
	v16 =	vld.idx.msk [tilespmem:v1+s27+$0x70 ss:$0x1], $0xffff;
	[tilespmem:v0+s24+$0xFFFFF7B0 ss:$0x1] =	vst.idx.msk $0xffff, v10;
	v10 =	vunpack.i.u.s16.s32 v4;
	v4 =	vunpack.i.l.s16.s32 v4  }
0x4e: {  	s25 =	sadd.s32 $0x80, s25;
	v11 =	vld.idx.msk [tilespmem:v1+s27+$0x870 ss:$0x1], $0xffff;
	[tilespmem:v0+s24+$0xFFFFFFB0 ss:$0x1] =	vst.idx.msk $0xffff, v8;
	v8 =	vpack.i.b32.b16 v15, v13;
	v13 =	vunpack.i.u.s16.s32 v3;
	v3 =	vunpack.i.l.s16.s32 v3  }
0x4f: {  	p3 =	slt.u32 s25, $0x180;
	v15 =	vld.idx.msk [tilespmem:v1+s27+$0x0 ss:$0x1], $0xffff;
	[tilespmem:v0+s24+$0xFFFFF7C0 ss:$0x1] =	vst.idx.msk $0xffff, v8;
	v8 =	vpack.i.b32.b16 v12, v9;
	v9 =	vunpack.i.u.s16.s32 v6;
	v6 =	vunpack.i.l.s16.s32 v6  }
0x50: {  	v2 =	vpack.i.b32.b16 v4, v2;
	v4 =	vunpack.i.u.s16.s32 v5;
	v5 =	vunpack.i.l.s16.s32 v5;
	v12 =	vld.idx.msk [tilespmem:v1+s27+$0x800 ss:$0x1], $0xffff;
	[tilespmem:v0+s24+$0xFFFFFFC0 ss:$0x1] =	vst.idx.msk $0xffff, v8  }
0x51: {  	v8 =	vld.idx.msk [tilespmem:v1+s27+$0x10 ss:$0x1], $0xffff;
	[tilespmem:v0+s24+$0xFFFFF7D0 ss:$0x1] =	vst.idx.msk $0xffff, v2;
	v2 =	vpack.i.b32.b16 v10, v14;
	v10 =	vunpack.i.u.s16.s32 v7;
	v7 =	vunpack.i.l.s16.s32 v7  }
0x52: {  	v3 =	vpack.i.b32.b16 v6, v3;
	v6 =	vpack.i.b32.b16 v9, v13;
	v14 =	vld.idx.msk [tilespmem:v1+s27+$0x810 ss:$0x1], $0xffff;
	v5 =	vpack.i.b32.b16 v7, v5  }
0x53: {  	v9 =	vpack.i.b32.b16 v10, v4;
	v7 =	vld.idx.msk [tilespmem:v1+s27+$0x20 ss:$0x1], $0xffff;
	[tilespmem:v0+s24+$0xFFFFFFD0 ss:$0x1] =	vst.idx.msk $0xffff, v2  }
0x54: {  	v2 =	vunpack.i.l.s16.s32 v16;
	v4 =	vunpack.i.l.s16.s32 v11;
	v13 =	vld.idx.msk [tilespmem:v1+s27+$0x820 ss:$0x1], $0xffff;
	[tilespmem:v0+s24+$0xFFFFF7E0 ss:$0x1] =	vst.idx.msk $0xffff, v3  }
0x55: {  	v10 =	vunpack.i.u.s16.s32 v11;
	v3 =	vunpack.i.u.s16.s32 v16;
	v2 =	vpack.i.b32.b16 v4, v2;
	v17 =	vld.idx.msk [tilespmem:v1+s27+$0x30 ss:$0x1], $0xffff;
	[tilespmem:v0+s24+$0xFFFFFFE0 ss:$0x1] =	vst.idx.msk $0xffff, v6  }
0x56: {  	v11 =	vunpack.i.l.s16.s32 v15;
	v6 =	vunpack.i.u.s16.s32 v15;
	v3 =	vpack.i.b32.b16 v10, v3;
	v15 =	vld.idx.msk [tilespmem:v1+s27+$0x830 ss:$0x1], $0xffff;
	[tilespmem:v0+s27+$0xFFFFF800 ss:$0x1] =	vst.idx.msk $0xffff, v2  }
0x57: {  	v16 =	vunpack.i.u.s16.s32 v12;
	v10 =	vunpack.i.l.s16.s32 v12;
	v12 =	vunpack.i.u.s16.s32 v8;
	v2 =	vld.idx.msk [tilespmem:v1+s27+$0x40 ss:$0x1], $0xffff;
	[tilespmem:v0+s27+$0x0 ss:$0x1] =	vst.idx.msk $0xffff, v3  }
.Ltmp3:
0x58: {  	v18 =	vunpack.i.l.s16.s32 v8;
	v19 =	vunpack.i.u.s16.s32 v14;
	v20 =	vunpack.i.l.s16.s32 v14;
	v4 =	vld.idx.msk [tilespmem:v1+s27+$0x840 ss:$0x1], $0xffff;
	[tilespmem:v0+s24+$0xFFFFF7F0 ss:$0x1] =	vst.idx.msk $0xffff, v5;
	(pc) =	sbr.rel @p3 .LBB1_5-.Ltmp3, $4  }
0x59: {  	v5 =	vpack.i.b32.b16 v10, v11;
	v8 =	vunpack.i.u.s16.s32 v7;
	v10 =	vunpack.i.l.s16.s32 v7;
	v3 =	vld.idx.msk [tilespmem:v1+s27+$0x50 ss:$0x1], $0xffff;
	[tilespmem:v0+s24+$0xFFFFFFF0 ss:$0x1] =	vst.idx.msk $0xffff, v9;
	s24 =	smov.u32 s27  }
0x5a: {  	v11 =	vunpack.i.u.s16.s32 v13;
	v14 =	vunpack.i.l.s16.s32 v13;
	[tilespmem:v0+s24+$0xFFFFF790 ss:$0x1] =	vst.idx.msk $0xffff, v5;
	v5 =	vpack.i.b32.b16 v16, v6;
	v6 =	vld.idx.msk [tilespmem:v1+s24+$0x850 ss:$0x1], $0xffff  }
0x5b: {  	v7 =	vpack.i.b32.b16 v20, v18;
	v9 =	vunpack.i.u.s16.s32 v17;
	v13 =	vunpack.i.l.s16.s32 v17;
	[tilespmem:v0+s24+$0xFFFFFF90 ss:$0x1] =	vst.idx.msk $0xffff, v5;
	v5 =	vld.idx.msk [tilespmem:v1+s24+$0x60 ss:$0x1], $0xffff  }
0x5c: {  	s26 =	sadd.s32 $0x800, s26;
	v16 =	vpack.i.b32.b16 v19, v12;
	v12 =	vunpack.i.u.s16.s32 v15;
	v15 =	vunpack.i.l.s16.s32 v15;
	[tilespmem:v0+s24+$0xFFFFF7A0 ss:$0x1] =	vst.idx.msk $0xffff, v7;
	v7 =	vld.idx.msk [tilespmem:v1+s24+$0x860 ss:$0x1], $0xffff  }
0x5d: {  	_ =	sdelay $0x3  }
0x5e: {  	[tilespmem:v0+s24+$0xFFFFFFA0 ss:$0x1] =	vst.idx.msk $0xffff, v16;
	v1 =	vpack.i.b32.b16 v14, v10  }
0x5f: {  	v46 =	vpack.i.b32.b16 v15, v13;
	[tilespmem:v0+s24+$0xFFFFF7B0 ss:$0x1] =	vst.idx.msk $0xffff, v1  }
0x60: {  	v45 =	vpack.i.b32.b16 v11, v8;
	[tilespmem:v0+s24+$0xFFFFF7C0 ss:$0x1] =	vst.idx.msk $0xffff, v46  }
0x61: {  	v47 =	vunpack.i.l.s16.s32 v2;
	v48 =	vunpack.i.l.s16.s32 v4;
	v49 =	vpack.i.b32.b16 v12, v9;
	[tilespmem:v0+s24+$0xFFFFFFB0 ss:$0x1] =	vst.idx.msk $0xffff, v45  }
0x62: {  	v50 =	vunpack.i.u.s16.s32 v2;
	v51 =	vunpack.i.u.s16.s32 v4;
	v52 =	vpack.i.b32.b16 v48, v47;
	[tilespmem:v0+s24+$0xFFFFFFC0 ss:$0x1] =	vst.idx.msk $0xffff, v49  }
0x63: {  	p3 =	slt.u32 s23, $0x6;
	v53 =	vunpack.i.l.s16.s32 v3;
	v55 =	vpack.i.b32.b16 v51, v50;
	v54 =	vunpack.i.l.s16.s32 v6;
	[tilespmem:v0+s24+$0xFFFFF7D0 ss:$0x1] =	vst.idx.msk $0xffff, v52  }
.Ltmp4:
0x64: {  	v56 =	vunpack.i.u.s16.s32 v3;
	v57 =	vunpack.i.u.s16.s32 v6;
	v58 =	vpack.i.b32.b16 v54, v53;
	[tilespmem:v0+s24+$0xFFFFFFD0 ss:$0x1] =	vst.idx.msk $0xffff, v55;
	(pc) =	sbr.rel @p3 .LBB1_4-.Ltmp4, $4  }
0x65: {  	v59 =	vunpack.i.l.s16.s32 v5;
	v2 =	vpack.i.b32.b16 v57, v56;
	v60 =	vunpack.i.l.s16.s32 v7;
	[tilespmem:v0+s24+$0xFFFFF7E0 ss:$0x1] =	vst.idx.msk $0xffff, v58  }
0x66: {  	v61 =	vunpack.i.u.s16.s32 v5;
	v62 =	vunpack.i.u.s16.s32 v7;
	v1 =	vpack.i.b32.b16 v60, v59;
	[tilespmem:v0+s24+$0xFFFFFFE0 ss:$0x1] =	vst.idx.msk $0xffff, v2  }
0x67: {  	s23 =	sadd.s32 $0x2, s23;
	v63 =	vpack.i.b32.b16 v62, v61;
	[tilespmem:v0+s24+$0xFFFFF7F0 ss:$0x1] =	vst.idx.msk $0xffff, v1  }
0x68: {  	s21 =	sadd.s32 $0x1000, s21;
	s22 =	sadd.s32 $0x80, s22;
	p2 =	por !p2, !p2;
	[tilespmem:v0+s24+$0xFFFFFFF0 ss:$0x1] =	vst.idx.msk $0xffff, v63  }
0x69: {  	p2 =	slt.u32 s20, $0x6  }
.Ltmp5:
0x6a: {  	_ = 	snop;
	(pc) =	sbr.rel @p2 .LBB1_3-.Ltmp5, $3  }
0x6b: {  	_ =	sdelay $0x1  }
0x6c: {  	s21 =	sadd.s32 $0x2, s20;
	s19 =	sadd.s32 $0x100, s19  }
0x6d: {  	p1 =	por !p1, !p1;
	s17 =	sadd.s32 $0x1000, s17;
	s20 =	smov.u32 s21  }
0x6e: {  	s15 =	sshll.u32 s15, $0x7  }
0x6f: {  	s17 =	sshll.u32 s12, $0x1;
	s14 =	sshll.u32 s14, $0xD;
	s13 =	sshll.u32 s13, $0x9  }
0x70: {  	s29 =	sshrl.u32 s12, $0x1;
	s30 =	sand.u32 $0x7, s12;
	s15 =	sand.u32 $0x300, s15  }
.Ltmp6:
0x71: {  	s17 =	sand.u32 $0xF0, s17;
	s14 =	sadd.s32 s3, s14;
	(pc) =	sbr.rel .LBB1_9-.Ltmp6, $4  }
0x72: {  	s15 =	sor.u32 s15, s17;
	s17 =	sand.u32 $0x1C0, s29;
	s13 =	sadd.s32 s13, s14  }
0x73: {  	s12 =	sshll.u32 s30, $0x12;
	s31 =	sshrl.u32 s15, $0x4;
	s13 =	sadd.s32 s17, s13  }
0x74: {  	s12 =	sor.u32 $0x800, s12;
	s13 =	sadd.s32 s31, s13  }
0x75: {  	[hbm4b:s13+s12] =	stream.strided.scatter [tilespmem:s16], [sflag:$0x2], $0x4000, s6, s12, $0x38;
	[tilespmem:$0x10000] =	vst v63  }
.LBB1_10:
0x76: {  	_ =	sfence.sel $0x180000  }
0x77: {  	s2 =	simm.s32 $0x1;
	[bflag:$0x0] =	sbarrier.arrive $0xFFFF  }
0x78: {  	s31 =	simm.s32 $0x2;
	[sflag:s2] =	ssyncpa.u1 $0x1  }
0x79: {  	[sflag:s31] =	ssyncpa.u1 $0x1  }
0x7a: {  	p0 =	sne.s32 s1, $0x0;
	_ =	strace $0x9000004A  }
0x7b: {  	s0 =	sadd.s32 @!p0 $0x100000, s0;
	[bflag:$0x2] =	sbarrier.arrive $0xFFFF  }
0x7c: {  	[sflag:s0] =	ssyncadd.tile.s32 @!p0 $0x1;
	_ =	shalt  }
.Lfunc_end1:
_tile_overlayer_lowered:
.L_overlay_start_2:
0x7d: {  	(tag) =	ssettag $0x2  }
0x7e: {  	s0 =	rddreg [dreg:$0x0];
	s2 =	stileid.u32  }
0x7f: {  	s1 =	rddreg [dreg:$0x1];
	p0 =	sne.s32 s2, $0x0  }
0x80: {  	s3 =	rddreg [dreg:$0x2];
	[bflag:$0x3] =	sbarrier.arrive $0xFFFF;
	s2 =	simm.s32 @!p0 $0x1C01  }
0x81: {  	[timem:s3], [sflag:s2] =	dma.local @!p0 [hbm:s0], s1  }
0x82: {  	s0 =	simm.s32 @!p0 $0x1  }
0x83: {  	_ =	swait.ge @!p0 [sflag:s0], s1  }
0x84: {  	s1 =	ssub.s32 @!p0 $0x0, s1;
	[sflag:s0] =	ssyncset.done @!p0 $0x0  }
0x85: {  	[sflag:s0] =	ssyncadd.s32 @!p0 s1  }
0x86: {  	[bflag:$0x3] =	sbarrier.arrive $0xFFFF  }
0x87: {  	_ =	shalt  }

// kernel: sparse-core-data-format-call.2.cloned.1.call-start
scs
called_computation.2_lowered:
.L_overlay_start_0:
0x0: {  	s1 =	sld [smem:$0x3FD9]  }
0x1: {  	s2 =	sld [smem:$0x3FFE];
	_ =	sdelay $0x1  }
0x2: {  	s3 =	srdreg.scid  }
0x3: {  	s0 =	sand.u32 $0x1, s3  }
0x4: {  	s17 =	sshll.u32 s0, $0xA;
	s1 =	sadd.s32 s2, s1  }
0x5: {  	s1 =	sadd.s32 s1, s17  }
0x6: {  	[smem:$0x3FC4] =	sst s1  }
0x7: {  	_ = 	snop  }
0x8: {  	(tm) =	ssettm $0x1  }
0x9: {  	s18 =	sld [smem:$0x3FFB];
	_ =	sdelay $0x3  }
0xa: {  	_ =	strace s18  }
0xb: {  	s1 =	sld [smem:$0x3FFC];
	_ =	sdelay $0x3  }
0xc: {  	_ =	strace s1  }
0xd: {  	s1 =	sld [smem:$0x3FFD];
	_ =	sdelay $0x3  }
0xe: {  	_ =	strace s1  }
0xf: {  	_ =	strace $0x8FFFFFFF  }
0x10: {  	s19 =	sld [smem:$0x3FDB];
	_ =	sdelay $0x1  }
0x11: {  	s20 =	simm.s32 $_scs_section_size  }
0x12: {  	s4 =	simm.s32 $_size__tile_overlayer_lowered;
	s5 =	simm.s32 $_tile_overlayer_lowered  }
0x13: {  	s23 =	simm.s32 $0x1BFF;
	s22 =	sshll.u32 s5, $0x1;
	s1 =	sadd.s32 s20, s19  }
0x14: {  	s6 =	simm.s32 $0x0;
	s21 =	sshll.u32 s4, $0x1;
	s4 =	sadd.s32 s22, s1  }
0x15: {  	[timem:s6], [sflag:s23] =	dma.local [hbm:s4], s21  }
0x16: {  	_ =	swait.ge [sflag:s23], s21  }
0x17: {  	s2 =	ssub.s32 $0x0, s21;
	[sflag:s23] =	ssyncset.done $0x0  }
0x18: {  	[sflag:s23] =	ssyncadd.s32 s2;
	_ =	sdelay $0x1  }
0x19: {  	s24 =	simm.s32 $0x1B8B  }
0x1a: {  	_ =	swait.ge [sflag:s24], $0x1  }
0x1b: {  	[sflag:s24] =	ssyncset.done $0x0  }
0x1c: {  	s26 =	simm.s32 $0x1B8E;
	s25 =	sld [smem:$0x3FFE];
	[sflag:s24] =	ssyncadd.s32 $0xFFFFFFFF  }
0x1d: {  	s27 =	simm.s32 $execute0_lowered;
	[smem:$0x3FD2] =	sst s26  }
0x1e: {  	s4 =	sshll.u32 s27, $0x1;
	_ =	strace $0x80000046;
	[dreg:$0x1] =	wrdreg $0xFFFFFFFF  }
0x1f: {  	s28 =	simm.s32 $_size_execute0_lowered;
	s1 =	sadd.s32 s1, s4;
	[dreg:$0x0] =	wrdreg $0x0  }
0x20: {  	s4 =	sshll.u32 s28, $0x1;
	[dreg:$0x2] =	wrdreg s1  }
0x21: {  	[dreg:$0x3] =	wrdreg s4  }
0x22: {  	[dreg:$0x4] =	wrdreg $0xC0  }
0x23: {  	_ =	task [dreg:s6], $0x5FFFF  }
0x24: {  	[dreg:$0x1] =	wrdreg $0xFFFFFFFF  }
0x25: {  	[dreg:$0x0] =	wrdreg $0x60  }
0x26: {  	[dreg:$0x2] =	wrdreg s25  }
0x27: {  	[dreg:$0x3] =	wrdreg $0x9  }
0x28: {  	_ =	task.clear_ibuf [dreg:s6], $0x4FFFF;
	_ =	strace $0x90000046  }
0x29: {  	s29 =	simm.s32 $0x9;
	_ =	strace $0x80000048  }
0x2a: {  	_ =	swait.ge [sflag:s29], $0x1  }
0x2b: {  	[sflag:s29] =	ssyncadd.s32 $0xFFFFFFFF  }
0x2c: {  	_ =	strace $0x90000048  }
0x2d: {  	_ =	sfence  }
0x2e: {  	s30 =	sld [smem:$0x0];
	_ =	sdelay $0x2  }
0x2f: {  	s31 =	sshll.u32 s3, $0xD;
	s3 =	sshrl.u32 s3, $0x2  }
0x30: {  	s2 =	sand.u32 $0x4000, s31;
	s1 =	sadd.s32 s3, s30  }
0x31: {  	s0 =	sor.u32 s2, s0;
	s1 =	sshll.u32 s1, $0x11  }
0x32: {  	s0 =	sor.u32 s1, s0  }
0x33: {  	s0 =	sadd.s32 $0x8F2B, s0  }
0x34: {  	[sflag:s0] =	ssyncadd.remote.s32 $0x1  }
0x35: {  	_ =	sfence.sel $0xFFFF  }
0x36: {  	[dreg:$0x0] =	wrdreg $0xFFFFFFFF;
	(pc) =	sbr.abs _section_cstart, $3  }
0x37: {  	[dreg:$0x1] =	wrdreg $0xFFFFFFFF  }
0x38: {  	_ =	task.clear_ibuf [dreg:s6], $0x2FFFF;
	_ =	strace $0x9FFFFFFF  }
0x39: {  	(tm) =	ssettm $0x7FFFFFFF  }
tec
execute0_lowered:
.L_overlay_start_1:
0x0: {  	(tag) =	ssettag $0x1  }
0x1: {  	s0 =	stileid.u32;
	s1 =	srdreg.scid  }
0x2: {  	s8 =	rddreg [dreg:$0x0];
	s9 =	simm.s32 $0x2;
	s17 =	simm.s32 $0x0  }
0x3: {  	s10 =	simm.s32 $0x2000;
	s18 =	simm.s32 $0x0;
	s16 =	simm.s32 $0x0  }
0x4: {  	s19 =	simm.s32 $0x0;
	s11 =	simm.s32 $0x0;
	s12 =	simm.s32 $0x0  }
0x5: {  	s2 =	sshll.u32 s0, $0x1;
	s3 =	sshll.u32 s0, $0x3;
	s4 =	sshll.u32 s1, $0x7  }
0x6: {  	s15 =	simm.s32 $0x0;
	s1 =	sand.u32 $0xE, s2;
	s29 =	sor.u32 s3, s4  }
0x7: {  	s4 =	simm.s32 $0x1;
	s2 =	sand.u32 $0xC0, s29;
	s30 =	ssub.s32 $0x10, s1  }
0x8: {  	s3 =	rddreg [dreg:$0x1];
	s31 =	sand.u32 $0xE, s30;
	s5 =	ssub.s32 $0x400, s2  }
0x9: {  	_ =	strace $0x80000047;
	p0 =	sne.s32 s31, $0x0;
	s6 =	sand.u32 $0xC0, s5  }
0xa: {  	s4 =	simm.s32 @!p0 $0x0;
	p0 =	sne.s32 s6, $0x0;
	s6 =	simm.s32 $0x1  }
0xb: {  	s7 =	sshrl.u32 s30, $0x4;
	s5 =	sshrl.u32 s5, $0x8;
	s6 =	simm.s32 @!p0 $0x0  }
.Ltmp0:
0xc: {  	s4 =	sadd.s32 s4, s7;
	s5 =	sadd.s32 s6, s5;
	(pc) =	sbr.rel .LBB1_1-.Ltmp0, $4  }
0xd: {  	s14 =	smov.u32 s1;
	s13 =	smov.u32 s2;
	s7 =	smul.u32 s5, s4  }
0xe: {  	p0 =	por $0x0, $0x0;
	s6 =	simm.s32 $0x1;
	s4 =	sadd.s32 $0x1600, s8  }
0xf: {  	s5 =	sadd.s32 $0x201600, s8;
	[sflag:s6] =	ssyncpa.u1 $0x0;
	s7 =	sshll.u32 s7, $0x3  }
0x10: {  	s8 =	sadd.s32 $0x21600, s8;
	[sflag:s9] =	ssyncpa.u1 $0x0;
	s9 =	sor.u32 $0x1, s7  }
.LBB1_4:
0x11: {  	v56 =	vld [tilespmem:s22+$0xFFFFE010]  }
0x12: {  	v58 =	vld [tilespmem:s22+$0x10]  }
0x13: {  	v60 =	vld [tilespmem:s22+$0xFFFFE020]  }
0x14: {  	[tilespmem:s21+$0x20C1 ss:$0x82] =	vst.msk $0xffff, v13;
	v11 =	vpack.i.b32.b16 v12, v11;
	v63 =	vld [tilespmem:s22+$0x20]  }
0x15: {  	v57 =	vunpack.i.l.s16.s32 v6;
	v8 =	vpack.i.b32.b16 v10, v8;
	v17 =	vld [tilespmem:s22+$0xFFFFE030];
	[tilespmem:s21+$0x28A0 ss:$0x82] =	vst.msk $0xffff, v11  }
0x16: {  	s24 =	sshra.s32 s24, $0x2;
	v61 =	vunpack.i.l.s16.s32 v4;
	v62 =	vunpack.i.l.s16.s32 v5;
	v19 =	vld [tilespmem:s22+$0x30];
	v1 =	vpack.i.b32.b16 v1, v57;
	[tilespmem:s21+$0x28E1 ss:$0x82] =	vst.msk $0xffff, v8  }
0x17: {  	v59 =	vunpack.i.u.s16.s32 v6;
	v21 =	vld [tilespmem:s22+$0xFFFFE040];
	s23 =	sadd.s32 s24, s23;
	v6 =	vpack.i.b32.b16 v62, v61;
	[tilespmem:s21+$0x0 ss:$0x82] =	vst.msk $0xffff, v1  }
0x18: {  	v14 =	vunpack.i.u.s16.s32 v4;
	v15 =	vunpack.i.u.s16.s32 v5;
	v25 =	vld [tilespmem:s22+$0x40];
	v0 =	vpack.i.b32.b16 v0, v59;
	[tilespmem:s23+$0x38E0 ss:$0x82] =	vst.msk $0xffff, v6  }
0x19: {  	v16 =	vunpack.i.l.s16.s32 v3;
	v28 =	vld [tilespmem:s22+$0xFFFFE050];
	v4 =	vpack.i.b32.b16 v15, v14;
	[tilespmem:s21+$0x41 ss:$0x82] =	vst.msk $0xffff, v0  }
0x1a: {  	v18 =	vunpack.i.u.s16.s32 v3;
	v30 =	vld [tilespmem:s22+$0x50];
	v0 =	vpack.i.b32.b16 v16, v9;
	[tilespmem:s23+$0x3921 ss:$0x82] =	vst.msk $0xffff, v4  }
0x1b: {  	v37 =	vld [tilespmem:s22+$0xFFFFE000];
	v3 =	vpack.i.b32.b16 v18, v7;
	[tilespmem:s21+$0x30C0 ss:$0x82] =	vst.msk $0xffff, v0;
	v20 =	vunpack.i.l.s16.s32 v56;
	v22 =	vunpack.i.l.s16.s32 v58  }
0x1c: {  	[tilespmem:s21+$0x3101 ss:$0x82] =	vst.msk $0xffff, v3;
	v26 =	vunpack.i.l.s16.s32 v60;
	v27 =	vunpack.i.l.s16.s32 v63;
	v4 =	vpack.i.b32.b16 v22, v20  }
0x1d: {  	v32 =	vunpack.i.l.s16.s32 v17;
	v33 =	vunpack.i.l.s16.s32 v19;
	v31 =	vpack.i.b32.b16 v27, v26;
	[tilespmem:s23+$0x820 ss:$0x82] =	vst.msk $0xffff, v4  }
0x1e: {  	v40 =	vunpack.i.l.s16.s32 v21;
	v41 =	vunpack.i.l.s16.s32 v25;
	v38 =	vpack.i.b32.b16 v33, v32;
	[tilespmem:s23+$0x1040 ss:$0x82] =	vst.msk $0xffff, v31  }
0x1f: {  	v47 =	vunpack.i.l.s16.s32 v28;
	v48 =	vunpack.i.l.s16.s32 v30;
	v46 =	vpack.i.b32.b16 v41, v40;
	[tilespmem:s23+$0x1860 ss:$0x82] =	vst.msk $0xffff, v38  }
0x20: {  	v53 =	vunpack.i.l.s16.s32 v2;
	v54 =	vunpack.i.l.s16.s32 v37;
	v52 =	vpack.i.b32.b16 v48, v47;
	[tilespmem:s23+$0x2080 ss:$0x82] =	vst.msk $0xffff, v46  }
0x21: {  	v39 =	vld [tilespmem:s22+$0xFFFFE060];
	v23 =	vunpack.i.u.s16.s32 v56;
	v24 =	vunpack.i.u.s16.s32 v58;
	v58 =	vpack.i.b32.b16 v53, v54;
	[tilespmem:s23+$0x28A0 ss:$0x82] =	vst.msk $0xffff, v52  }
0x22: {  	v44 =	vld [tilespmem:s22+$0x60];
	v29 =	vunpack.i.u.s16.s32 v60;
	v1 =	vunpack.i.u.s16.s32 v63;
	v0 =	vpack.i.b32.b16 v24, v23;
	[tilespmem:s23+$0x0 ss:$0x82] =	vst.msk $0xffff, v58  }
0x23: {  	s26 =	sshll.u32 s19, $0xA;
	v35 =	vunpack.i.u.s16.s32 v17;
	v36 =	vunpack.i.u.s16.s32 v19;
	v34 =	vpack.i.b32.b16 v1, v29;
	[tilespmem:s23+$0x861 ss:$0x82] =	vst.msk $0xffff, v0  }
0x24: {  	s27 =	sshll.u32 s19, $0x7;
	s28 =	sshll.u32 s16, $0x1;
	s29 =	sshll.u32 s16, $0x3;
	v43 =	vunpack.i.u.s16.s32 v21;
	v45 =	vunpack.i.u.s16.s32 v25;
	v42 =	vpack.i.b32.b16 v36, v35;
	[tilespmem:s23+$0x1081 ss:$0x82] =	vst.msk $0xffff, v34  }
0x25: {  	s18 =	sshll.u32 s18, $0xA;
	s17 =	sshll.u32 s17, $0xB;
	s30 =	sand.u32 $0x7, s16;
	v50 =	vunpack.i.u.s16.s32 v28;
	v51 =	vunpack.i.u.s16.s32 v30;
	v49 =	vpack.i.b32.b16 v45, v43;
	[tilespmem:s23+$0x18A1 ss:$0x82] =	vst.msk $0xffff, v42  }
0x26: {  	s19 =	sand.u32 $0x300, s27;
	s22 =	sand.u32 $0xF0, s28;
	s21 =	sand.u32 $0x2000, s26;
	v56 =	vunpack.i.u.s16.s32 v2;
	v57 =	vunpack.i.u.s16.s32 v37;
	v55 =	vpack.i.b32.b16 v51, v50;
	[tilespmem:s23+$0x20C1 ss:$0x82] =	vst.msk $0xffff, v49  }
0x27: {  	s18 =	sadd.s32 s5, s18;
	s19 =	sor.u32 s19, s22;
	v59 =	vunpack.i.l.s16.s32 v39;
	v60 =	vunpack.i.l.s16.s32 v44;
	s21 =	sadd.s32 s21, s29;
	v1 =	vpack.i.b32.b16 v56, v57;
	[tilespmem:s23+$0x28E1 ss:$0x82] =	vst.msk $0xffff, v55  }
0x28: {  	s17 =	sadd.s32 s17, s18;
	s19 =	sshrl.u32 s19, $0x4;
	v61 =	vunpack.i.u.s16.s32 v39;
	v62 =	vunpack.i.u.s16.s32 v44;
	s21 =	sshrl.u32 s21, $0x4;
	v0 =	vpack.i.b32.b16 v60, v59;
	[tilespmem:s23+$0x41 ss:$0x82] =	vst.msk $0xffff, v1  }
0x29: {  	s16 =	sshll.u32 s30, $0x12;
	s17 =	sadd.s32 s19, s17;
	v63 =	vpack.i.b32.b16 v62, v61;
	s31 =	sand.u32 $0x3C0, s21;
	[tilespmem:s23+$0x30C0 ss:$0x82] =	vst.msk $0xffff, v0  }
0x2a: {  	s16 =	sor.u32 $0x40, s16;
	s17 =	sadd.s32 s31, s17;
	[tilespmem:s23+$0x3101 ss:$0x82] =	vst.msk $0xffff, v63  }
0x2b: {  	[hbm4b:s17+s16] =	stream.strided.scatter [tilespmem:s20], [sflag:$0x2], $0x4000, s10, s16, $0x18;
	[tilespmem:$0x10200] =	vst v63  }
.LBB1_5:
0x2c: {  	s20 =	sadd.s32 $0x80, s11  }
0x2d: {  	s16 =	sadd.s32 $0x2, s12;
	s21 =	smov.u32 s12;
	p2 =	sgt.s32 s20, $0x3FF  }
0x2e: {  	s21 =	smov.u32 @p2 s16  }
0x2f: {  	s22 =	smov.u32 s13;
	s16 =	sadd.s32 $0x100, s13;
	p3 =	sgt.s32 s21, $0x1  }
0x30: {  	s22 =	smov.u32 @p3 s16  }
0x31: {  	s23 =	smov.u32 s14;
	s16 =	sadd.s32 $0x10, s14;
	p4 =	sgt.s32 s22, $0x3FF  }
0x32: {  	p1 =	slt.u32 s15, $0x2;
	s23 =	smov.u32 @p4 s16  }
0x33: {  	s17 =	smov.u32 s11;
	s20 =	simm.s32 @p2 $0x0;
	p2 =	sgt.s32 s23, $0xF  }
0x34: {  	s24 =	simm.s32 @!p1 $0x2;
	s23 =	smov.u32 @p2 s1;
	p2 =	sne.s32 s15, s9  }
.Ltmp1:
0x35: {  	s18 =	smov.u32 s12;
	_ =	swait.ge @!p1 [sflag:s24], $0x4000;
	(pc) =	sbr.rel @!p2 .LBB1_6-.Ltmp1, $4  }
0x36: {  	s19 =	smov.u32 s14;
	p0 =	por !p0, !p0;
	[sflag:s24] =	ssyncset.done @!p1 $0x0  }
0x37: {  	s11 =	smov.u32 s20;
	s21 =	simm.s32 @p3 $0x0;
	[sflag:s24] =	ssyncadd.s32 @!p1 $0xFFFFC000  }
0x38: {  	s12 =	smov.u32 s21;
	s22 =	smov.u32 @p4 s2;
	s16 =	smov.u32 s13  }
0x39: {  	s13 =	smov.u32 s22;
	s15 =	sadd.s32 $0x1, s15;
	s14 =	smov.u32 s23  }
.LBB1_1:
0x3a: {  	p1 =	sge.u32 s15, s7  }
0x3b: {  	s20 =	sshll.u32 @!p1 s14, $0x11  }
0x3c: {  	s21 =	sshll.u32 @!p1 s13, $0x7;
	s22 =	sshrl.u32 @!p1 s11, $0x3;
	s24 =	sxor.u32 @!p1 $0xFFFFFFFF, s15  }
0x3d: {  	s26 =	sand.u32 @!p1 $0x7, s11;
	s27 =	simm.s32 @!p1 $0x400;
	s23 =	sadd.s32 @!p1 s20, s21  }
0x3e: {  	s25 =	sand.u32 @!p1 $0x40, s22;
	s22 =	sand.u32 @!p1 $0x3F, s22;
	s24 =	sshll.u32 @!p1 s24, $0xE  }
0x3f: {  	s26 =	sshll.u32 @!p1 s26, $0x12;
	s20 =	sadd.s32 @!p1 s20, s8;
	s23 =	sadd.s32 @!p1 s4, s23  }
0x40: {  	s24 =	sand.u32 @!p1 $0x4000, s24;
	s20 =	sadd.s32 @!p1 s21, s20;
	s23 =	sadd.s32 @!p1 s25, s23  }
0x41: {  	s26 =	sor.u32 @!p1 $0x80, s26;
	s20 =	sadd.s32 @!p1 s25, s20;
	s23 =	sadd.s32 @!p1 s22, s23  }
0x42: {  	[tilespmem:s24], [sflag:$0x1] =	stream.strided.gather @!p1 [hbm4b:s23+s26], $0x2000, s27, s26, $0x38;
	[tilespmem:$0x10200] =	vst v63  }
0x43: {  	s31 =	sadd.s32 $0xFFFFFFFF, s15;
	s21 =	sor.u32 @!p1 $0x2000, s24;
	s20 =	sadd.s32 @!p1 s22, s20  }
0x44: {  	[tilespmem:s21], [sflag:$0x1] =	stream.strided.gather @!p1 [hbm4b:s20+s26], $0x2000, s27, s26, $0x38;
	[tilespmem:$0x10200] =	vst v63  }
0x45: {  	p1 =	sge.u32 s31, s7  }
.Ltmp2:
0x46: {  	_ = 	snop;
	(pc) =	sbr.rel @p1 .LBB1_5-.Ltmp2, $1  }
0x47: {  	_ =	sdelay $0x3  }
0x48: {  	s20 =	simm.s32 $0x1  }
0x49: {  	_ =	swait.ge [sflag:s6], $0x4000;
	s20 =	simm.s32 @!p0 $0x0  }
0x4a: {  	[sflag:s6] =	ssyncset.done $0x0;
	s21 =	sshll.u32 s20, $0xE  }
0x4b: {  	[sflag:s6] =	ssyncadd.s32 $0xFFFFC000;
	s22 =	sor.u32 $0x2000, s21  }
0x4c: {  	v0 =	vld [tilespmem:s22+$0xFFFFE070]  }
0x4d: {  	v1 =	vld [tilespmem:s22+$0x70]  }
0x4e: {  	v2 =	vld [tilespmem:s22+$0x0]  }
0x4f: {  	v3 =	vld [tilespmem:s22+$0xFFFFE010]  }
0x50: {  	v4 =	vld [tilespmem:s22+$0x10]  }
0x51: {  	v5 =	vld [tilespmem:s22+$0xFFFFE020]  }
0x52: {  	s20 =	smul.u32 $0x10400, s20;
	v6 =	vld [tilespmem:s22+$0x20]  }
0x53: {  	v9 =	vld [tilespmem:s22+$0xFFFFE030];
	v7 =	vunpack.i.l.s16.s32 v0;
	v8 =	vunpack.i.l.s16.s32 v1  }
0x54: {  	s20 =	sshrl.u32 s20, $0x2;
	v12 =	vld [tilespmem:s22+$0xFFFFE040];
	v10 =	vunpack.i.u.s16.s32 v0;
	v11 =	vunpack.i.u.s16.s32 v1;
	v0 =	vunpack.i.u.s16.s32 v2  }
0x55: {  	v13 =	vld [tilespmem:s22+$0x40];
	s23 =	sor.u32 $0x8000, s20;
	v1 =	vunpack.i.l.s16.s32 v2;
	v7 =	vpack.i.b32.b16 v8, v7;
	v8 =	vpack.i.b32.b16 v11, v10  }
0x56: {  	s21 =	sadd.s32 $0x0, s23;
	v2 =	vld [tilespmem:s22+$0x30];
	v10 =	vunpack.i.u.s16.s32 v3;
	v3 =	vunpack.i.l.s16.s32 v3;
	v11 =	vunpack.i.u.s16.s32 v4  }
0x57: {  	v14 =	vld [tilespmem:s22+$0xFFFFE050];
	v4 =	vunpack.i.l.s16.s32 v4;
	[tilespmem:s21+$0x38E0 ss:$0x82] =	vst.msk $0xffff, v7;
	v7 =	vunpack.i.u.s16.s32 v5;
	v5 =	vunpack.i.l.s16.s32 v5  }
0x58: {  	v15 =	vld [tilespmem:s22+$0x50];
	v3 =	vpack.i.b32.b16 v4, v3;
	v4 =	vunpack.i.u.s16.s32 v6;
	v6 =	vunpack.i.l.s16.s32 v6;
	[tilespmem:s21+$0x3921 ss:$0x82] =	vst.msk $0xffff, v8  }
0x59: {  	[tilespmem:s21+$0x820 ss:$0x82] =	vst.msk $0xffff, v3;
	v3 =	vpack.i.b32.b16 v11, v10;
	v8 =	vunpack.i.u.s16.s32 v9;
	v9 =	vunpack.i.l.s16.s32 v9  }
0x5a: {  	v16 =	vld [tilespmem:s22+$0xFFFFE060];
	v4 =	vpack.i.b32.b16 v4, v7;
	v7 =	vunpack.i.u.s16.s32 v12;
	[tilespmem:s21+$0x861 ss:$0x82] =	vst.msk $0xffff, v3;
	v3 =	vpack.i.b32.b16 v6, v5  }
0x5b: {  	s31 =	sand.u32 $0x1, s15;
	v10 =	vunpack.i.l.s16.s32 v12;
	v5 =	vunpack.i.u.s16.s32 v2;
	v2 =	vunpack.i.l.s16.s32 v2;
	[tilespmem:s21+$0x1040 ss:$0x82] =	vst.msk $0xffff, v3;
	v3 =	vld [tilespmem:s22+$0x60]  }
0x5c: {  	s20 =	smul.u32 $0x10400, s31;
	v12 =	vunpack.i.l.s16.s32 v13;
	v11 =	vunpack.i.l.s16.s32 v14;
	v6 =	vld [tilespmem:s22+$0xFFFFE000];
	s22 =	sadd.s32 $0x80, s22;
	[tilespmem:s21+$0x1081 ss:$0x82] =	vst.msk $0xffff, v4;
	v2 =	vpack.i.b32.b16 v2, v9  }
0x5d: {  	v9 =	vunpack.i.u.s16.s32 v13;
	v4 =	vld [tilespmem:s22+$0xFFFFE070];
	v13 =	vpack.i.b32.b16 v12, v10;
	v10 =	vunpack.i.u.s16.s32 v15;
	[tilespmem:s21+$0x1860 ss:$0x82] =	vst.msk $0xffff, v2  }
0x5e: {  	s20 =	sshrl.u32 s20, $0x2;
	v12 =	vunpack.i.l.s16.s32 v15;
	v2 =	vpack.i.b32.b16 v5, v8;
	v8 =	vunpack.i.u.s16.s32 v14;
	v5 =	vld [tilespmem:s22+$0x70];
	[tilespmem:s21+$0x2080 ss:$0x82] =	vst.msk $0xffff, v13  }
0x5f: {  	s24 =	simm.s32 $0x4;
	s25 =	simm.s32 $0x8;
	s20 =	sor.u32 $0x8000, s20;
	v13 =	vpack.i.b32.b16 v9, v7;
	v7 =	vunpack.i.u.s16.s32 v16;
	v9 =	vunpack.i.l.s16.s32 v16;
	[tilespmem:s21+$0x18A1 ss:$0x82] =	vst.msk $0xffff, v2;
	v2 =	vld [tilespmem:s22+$0x0]  }
.LBB1_3:
0x60: {  	p1 =	sne.s32 s25, $0xFC;
	v14 =	vld [tilespmem:s22+$0xFFFFE010];
	[tilespmem:s21+$0x20C1 ss:$0x82] =	vst.msk $0xffff, v13;
	v11 =	vpack.i.b32.b16 v12, v11;
	v12 =	vunpack.i.u.s16.s32 v3;
	v3 =	vunpack.i.l.s16.s32 v3  }
0x61: {  	v15 =	vunpack.i.u.s16.s32 v6;
	v6 =	vunpack.i.l.s16.s32 v6;
	v8 =	vpack.i.b32.b16 v10, v8;
	v13 =	vld [tilespmem:s22+$0x10];
	[tilespmem:s21+$0x28A0 ss:$0x82] =	vst.msk $0xffff, v11  }
0x62: {  	v1 =	vpack.i.b32.b16 v1, v6;
	v0 =	vpack.i.b32.b16 v0, v15;
	v3 =	vpack.i.b32.b16 v3, v9;
	v10 =	vld [tilespmem:s22+$0xFFFFE020];
	[tilespmem:s21+$0x28E1 ss:$0x82] =	vst.msk $0xffff, v8  }
0x63: {  	s26 =	sshra.s32 s24, $0x2;
	s24 =	smov.u32 s25;
	v9 =	vunpack.i.l.s16.s32 v5;
	v7 =	vpack.i.b32.b16 v12, v7;
	v8 =	vunpack.i.l.s16.s32 v4;
	v6 =	vld [tilespmem:s22+$0x20];
	[tilespmem:s21+$0x0 ss:$0x82] =	vst.msk $0xffff, v1  }
0x64: {  	s26 =	sadd.s32 s26, s23;
	v5 =	vunpack.i.u.s16.s32 v5;
	v4 =	vunpack.i.u.s16.s32 v4;
	v8 =	vpack.i.b32.b16 v9, v8;
	v11 =	vld [tilespmem:s22+$0xFFFFE030];
	[tilespmem:s21+$0x41 ss:$0x82] =	vst.msk $0xffff, v0  }
0x65: {  	v1 =	vunpack.i.l.s16.s32 v2;
	v4 =	vpack.i.b32.b16 v5, v4;
	v0 =	vunpack.i.u.s16.s32 v2;
	v2 =	vld [tilespmem:s22+$0x30];
	[tilespmem:s26+$0x38E0 ss:$0x82] =	vst.msk $0xffff, v8  }
0x66: {  	v5 =	vunpack.i.u.s16.s32 v14;
	v8 =	vunpack.i.l.s16.s32 v14;
	v9 =	vunpack.i.u.s16.s32 v13;
	v12 =	vld [tilespmem:s22+$0xFFFFE040];
	[tilespmem:s26+$0x3921 ss:$0x82] =	vst.msk $0xffff, v4  }
0x67: {  	v4 =	vunpack.i.l.s16.s32 v13;
	v13 =	vunpack.i.u.s16.s32 v10;
	v10 =	vunpack.i.l.s16.s32 v10;
	v14 =	vld [tilespmem:s22+$0x40];
	[tilespmem:s21+$0x30C0 ss:$0x82] =	vst.msk $0xffff, v3  }
0x68: {  	v3 =	vpack.i.b32.b16 v4, v8;
	v4 =	vunpack.i.u.s16.s32 v6;
	v6 =	vunpack.i.l.s16.s32 v6;
	v15 =	vld [tilespmem:s22+$0xFFFFE050];
	[tilespmem:s21+$0x3101 ss:$0x82] =	vst.msk $0xffff, v7;
	s21 =	smov.u32 s26  }
0x69: {  	[tilespmem:s21+$0x820 ss:$0x82] =	vst.msk $0xffff, v3;
	v3 =	vpack.i.b32.b16 v9, v5;
	v5 =	vunpack.i.u.s16.s32 v11;
	v7 =	vunpack.i.l.s16.s32 v11;
	v9 =	vld [tilespmem:s22+$0x50]  }
0x6a: {  	[tilespmem:s21+$0x861 ss:$0x82] =	vst.msk $0xffff, v3;
	v3 =	vpack.i.b32.b16 v6, v10;
	v8 =	vunpack.i.u.s16.s32 v2;
	v2 =	vunpack.i.l.s16.s32 v2;
	v16 =	vld [tilespmem:s22+$0xFFFFE060]  }
.Ltmp3:
0x6b: {  	v4 =	vpack.i.b32.b16 v4, v13;
	[tilespmem:s21+$0x1040 ss:$0x82] =	vst.msk $0xffff, v3;
	v13 =	vunpack.i.u.s16.s32 v12;
	v10 =	vunpack.i.l.s16.s32 v12;
	v3 =	vld [tilespmem:s22+$0x60];
	(pc) =	sbr.rel @p1 .LBB1_3-.Ltmp3, $4  }
0x6c: {  	v2 =	vpack.i.b32.b16 v2, v7;
	v6 =	vld [tilespmem:s22+$0xFFFFE000];
	[tilespmem:s21+$0x1081 ss:$0x82] =	vst.msk $0xffff, v4;
	v7 =	vunpack.i.u.s16.s32 v14;
	v12 =	vunpack.i.l.s16.s32 v14;
	s22 =	sadd.s32 $0x80, s22  }
0x6d: {  	v4 =	vld [tilespmem:s22+$0xFFFFE070];
	[tilespmem:s21+$0x1860 ss:$0x82] =	vst.msk $0xffff, v2;
	v2 =	vpack.i.b32.b16 v8, v5;
	v8 =	vunpack.i.u.s16.s32 v15;
	v11 =	vunpack.i.l.s16.s32 v15  }
0x6e: {  	v14 =	vpack.i.b32.b16 v12, v10;
	v5 =	vld [tilespmem:s22+$0x70];
	[tilespmem:s21+$0x18A1 ss:$0x82] =	vst.msk $0xffff, v2;
	v10 =	vunpack.i.u.s16.s32 v9;
	v12 =	vunpack.i.l.s16.s32 v9  }
0x6f: {  	s25 =	sadd.s32 $0x4, s25;
	v13 =	vpack.i.b32.b16 v7, v13;
	v2 =	vld [tilespmem:s22+$0x0];
	[tilespmem:s21+$0x2080 ss:$0x82] =	vst.msk $0xffff, v14;
	v7 =	vunpack.i.u.s16.s32 v16;
	v9 =	vunpack.i.l.s16.s32 v16  }
.Ltmp4:
0x70: {  	_ = 	snop;
	(pc) =	sbr.rel .LBB1_4-.Ltmp4, $1  }
0x71: {  	_ =	sdelay $0x3  }
.LBB1_6:
0x72: {  	_ =	sfence.sel $0x180000  }
0x73: {  	s1 =	simm.s32 $0x1;
	[bflag:$0x0] =	sbarrier.arrive $0xFFFF  }
0x74: {  	s31 =	simm.s32 $0x2;
	[sflag:s1] =	ssyncpa.u1 $0x1  }
0x75: {  	[sflag:s31] =	ssyncpa.u1 $0x1  }
0x76: {  	p0 =	sne.s32 s0, $0x0;
	_ =	strace $0x90000047  }
0x77: {  	s0 =	sadd.s32 @!p0 $0x100000, s3;
	[bflag:$0x2] =	sbarrier.arrive $0xFFFF  }
0x78: {  	[sflag:s0] =	ssyncadd.tile.s32 @!p0 $0x1;
	_ =	shalt  }
.Lfunc_end1:
_tile_overlayer_lowered:
.L_overlay_start_2:
0x79: {  	(tag) =	ssettag $0x2  }
0x7a: {  	s0 =	rddreg [dreg:$0x0];
	s2 =	stileid.u32  }
0x7b: {  	s1 =	rddreg [dreg:$0x1];
	p0 =	sne.s32 s2, $0x0  }
0x7c: {  	s3 =	rddreg [dreg:$0x2];
	[bflag:$0x3] =	sbarrier.arrive $0xFFFF;
	s2 =	simm.s32 @!p0 $0x1C01  }
0x7d: {  	[timem:s3], [sflag:s2] =	dma.local @!p0 [hbm:s0], s1  }
0x7e: {  	s0 =	simm.s32 @!p0 $0x1  }
0x7f: {  	_ =	swait.ge @!p0 [sflag:s0], s1  }
0x80: {  	s1 =	ssub.s32 @!p0 $0x0, s1;
	[sflag:s0] =	ssyncset.done @!p0 $0x0  }
0x81: {  	[sflag:s0] =	ssyncadd.s32 @!p0 s1  }
0x82: {  	[bflag:$0x3] =	sbarrier.arrive $0xFFFF  }
0x83: {  	_ =	shalt  }

// kernel: sparse-core-data-format-call.cloned.1.call-start
scs
called_computation_lowered:
.L_overlay_start_0:
0x0: {  	s2 =	sld [smem:$0x3FD9]  }
0x1: {  	s3 =	sld [smem:$0x3FFE];
	_ =	sdelay $0x1  }
0x2: {  	s1 =	srdreg.scid  }
0x3: {  	s0 =	sand.u32 $0x1, s1  }
0x4: {  	s15 =	sshll.u32 s0, $0xA;
	s2 =	sadd.s32 s3, s2  }
0x5: {  	s2 =	sadd.s32 s2, s15  }
0x6: {  	[smem:$0x3FC4] =	sst s2  }
0x7: {  	_ = 	snop  }
0x8: {  	s2 =	sld [smem:$0x3FD0];
	_ =	sdelay $0x2  }
0x9: {  	s16 =	simm.s32 $0xA;
	s4 =	simm.s32 $0x10  }
0xa: {  	[smem:s4], [sflag:s16] =	dma.local [hbm:s2], $0x1  }
0xb: {  	_ =	swait.eq [sflag:s16], $0x1  }
0xc: {  	[sflag:s16] =	ssyncset.done $0x0  }
0xd: {  	[sflag:s16] =	ssyncadd.s32 $0xFFFFFFFF  }
0xe: {  	s17 =	sld [smem:$0x10];
	(tm) =	ssettm $0x1  }
0xf: {  	s18 =	sld [smem:$0x3FFB];
	_ =	sdelay $0x3  }
0x10: {  	_ =	strace s18  }
0x11: {  	s3 =	sld [smem:$0x3FFC];
	_ =	sdelay $0x3  }
0x12: {  	_ =	strace s3  }
0x13: {  	s3 =	sld [smem:$0x3FFD];
	_ =	sdelay $0x3  }
0x14: {  	_ =	strace s3  }
0x15: {  	_ =	strace $0x8FFFFFFF  }
0x16: {  	s19 =	sld [smem:$0x3FDB];
	_ =	sdelay $0x1  }
0x17: {  	s20 =	simm.s32 $_scs_section_size  }
0x18: {  	s5 =	simm.s32 $_size__tile_overlayer_lowered;
	s6 =	simm.s32 $_tile_overlayer_lowered  }
0x19: {  	s23 =	simm.s32 $0x1BFF;
	s22 =	sshll.u32 s6, $0x1;
	s3 =	sadd.s32 s20, s19  }
0x1a: {  	s7 =	simm.s32 $0x0;
	s21 =	sshll.u32 s5, $0x1;
	s5 =	sadd.s32 s22, s3  }
0x1b: {  	[timem:s7], [sflag:s23] =	dma.local [hbm:s5], s21  }
0x1c: {  	_ =	swait.ge [sflag:s23], s21  }
0x1d: {  	s4 =	ssub.s32 $0x0, s21;
	[sflag:s23] =	ssyncset.done $0x0  }
0x1e: {  	[sflag:s23] =	ssyncadd.s32 s4;
	_ =	sdelay $0x1  }
0x1f: {  	s24 =	simm.s32 $0x1B8B  }
0x20: {  	_ =	swait.ge [sflag:s24], $0x1  }
0x21: {  	[sflag:s24] =	ssyncset.done $0x0  }
0x22: {  	s26 =	simm.s32 $0x1B8E;
	s25 =	sld [smem:$0x3FFE];
	[sflag:s24] =	ssyncadd.s32 $0xFFFFFFFF  }
0x23: {  	s27 =	simm.s32 $execute0_lowered;
	[smem:$0x3FD2] =	sst s26  }
0x24: {  	s5 =	sshll.u32 s27, $0x1;
	_ =	strace $0x8000004C;
	[dreg:$0x1] =	wrdreg $0xFFFFFFFF  }
0x25: {  	s28 =	simm.s32 $_size_execute0_lowered;
	s3 =	sadd.s32 s3, s5;
	[dreg:$0x0] =	wrdreg $0x0  }
0x26: {  	s5 =	sshll.u32 s28, $0x1;
	[dreg:$0x2] =	wrdreg s3  }
0x27: {  	[dreg:$0x3] =	wrdreg s5  }
0x28: {  	[dreg:$0x4] =	wrdreg $0xC0  }
0x29: {  	_ =	task [dreg:s7], $0x5FFFF  }
0x2a: {  	[dreg:$0x1] =	wrdreg $0xFFFFFFFF  }
0x2b: {  	[dreg:$0x0] =	wrdreg $0x60  }
0x2c: {  	[dreg:$0x2] =	wrdreg s25  }
0x2d: {  	[dreg:$0x3] =	wrdreg s17  }
0x2e: {  	[dreg:$0x4] =	wrdreg $0x9  }
0x2f: {  	_ =	task.clear_ibuf [dreg:s7], $0x5FFFF;
	_ =	strace $0x9000004C  }
0x30: {  	s29 =	simm.s32 $0x9;
	_ =	strace $0x8000004E  }
0x31: {  	_ =	swait.ge [sflag:s29], $0x1  }
0x32: {  	[sflag:s29] =	ssyncadd.s32 $0xFFFFFFFF  }
0x33: {  	_ =	strace $0x9000004E  }
0x34: {  	_ =	sfence  }
0x35: {  	s30 =	sld [smem:$0x0];
	_ =	sdelay $0x2  }
0x36: {  	s31 =	sshll.u32 s1, $0xD;
	s1 =	sshrl.u32 s1, $0x2  }
0x37: {  	s3 =	sand.u32 $0x4000, s31;
	s1 =	sadd.s32 s1, s30  }
0x38: {  	s0 =	sor.u32 s3, s0;
	s1 =	sshll.u32 s1, $0x11  }
0x39: {  	s0 =	sor.u32 s1, s0  }
0x3a: {  	s0 =	sadd.s32 $0x8F2B, s0  }
0x3b: {  	[sflag:s0] =	ssyncadd.remote.s32 $0x1  }
0x3c: {  	_ =	sfence.sel $0xFFFF  }
0x3d: {  	[dreg:$0x0] =	wrdreg $0xFFFFFFFF;
	(pc) =	sbr.abs _section_cstart, $3  }
0x3e: {  	[dreg:$0x1] =	wrdreg $0xFFFFFFFF  }
0x3f: {  	_ =	task.clear_ibuf [dreg:s7], $0x2FFFF;
	_ =	strace $0x9FFFFFFF  }
0x40: {  	(tm) =	ssettm $0x7FFFFFFF  }
0x41: {  	_ =	shalt  }
tec
execute0_lowered:
.L_overlay_start_1:
0x0: {  	(tag) =	ssettag $0x1  }
0x1: {  	s8 =	rddreg [dreg:$0x0]  }
0x2: {  	s0 =	stileid.u32;
	s2 =	rddreg [dreg:$0x1]  }
0x3: {  	s4 =	srdreg.scid;
	s31 =	simm.s32 $0x2;
	s15 =	simm.s32 $0x0  }
0x4: {  	s17 =	simm.s32 $0x0;
	s16 =	simm.s32 $0x0;
	s1 =	sshll.u32 s0, $0x7  }
0x5: {  	s14 =	simm.s32 $0x0;
	s3 =	sshrl.u32 s0, $0x3;
	s1 =	sand.u32 $0x380, s1  }
0x6: {  	s4 =	sshll.u32 s4, $0x7;
	s8 =	sadd.s32 $0x101600, s8;
	s5 =	ssub.s32 $0x400, s1  }
0x7: {  	s4 =	sand.u32 $0x80, s4;
	s7 =	ssub.s32 $0x2, s3;
	s6 =	sand.u32 $0x380, s5  }
0x8: {  	s9 =	sshrl.u32 s7, $0x1;
	p0 =	sne.s32 s6, $0x0;
	s6 =	simm.s32 $0x1  }
0x9: {  	s7 =	sand.u32 $0x1, s7;
	s5 =	sshrl.u32 s5, $0xA;
	s6 =	simm.s32 @!p0 $0x0  }
0xa: {  	s10 =	ssub.s32 $0x1000, s4;
	s27 =	sadd.s32 s7, s9;
	s5 =	sadd.s32 s6, s5  }
0xb: {  	s12 =	smov.u32 s3;
	s28 =	sshrl.u32 s10, $0x7;
	s30 =	smul.u32 s27, s5  }
.Ltmp0:
0xc: {  	s29 =	sshrl.u32 s10, $0x8;
	s7 =	sand.u32 $0x1, s28;
	(pc) =	sbr.rel .LBB1_1-.Ltmp0, $4  }
0xd: {  	s11 =	smov.u32 s4;
	s7 =	sadd.s32 s29, s7;
	s6 =	simm.s32 $0x1  }
0xe: {  	s5 =	rddreg [dreg:$0x2];
	_ =	strace $0x8000004D;
	s7 =	smul.u32 s7, s30  }
0xf: {  	s13 =	smov.u32 s1;
	s10 =	simm.s32 $0x800;
	[sflag:s6] =	ssyncpa.u1 $0x0  }
0x10: {  	p0 =	por $0x0, $0x0;
	[sflag:s31] =	ssyncpa.u1 $0x0;
	s9 =	sadd.s32 $0x1, s7  }
.LBB1_4:
0x11: {  	v5 =	vld [tilespmem:s21+$0xFFFFFFD0];
	[tilespmem:s20+$0x2040 ss:$0x81] =	vst.msk $0xffff, v1  }
0x12: {  	v58 =	vld [tilespmem:s21+$0xFFFFFFE0];
	[tilespmem:s20+$0x2850 ss:$0x81] =	vst.msk $0xffff, v2  }
0x13: {  	s22 =	sshra.s32 s22, $0x2;
	v59 =	vld [tilespmem:s21+$0xFFFFFFF0];
	[tilespmem:s20+$0x3060 ss:$0x81] =	vst.msk $0xffff, v3  }
0x14: {  	v60 =	vld [tilespmem:s21+$0x0];
	[tilespmem:s20+$0x0 ss:$0x81] =	vst.msk $0xffff, v0;
	s19 =	sadd.s32 s22, s19  }
0x15: {  	v61 =	vld [tilespmem:s21+$0x10];
	[tilespmem:s19+$0x3870 ss:$0x81] =	vst.msk $0xffff, v4  }
0x16: {  	v62 =	vld [tilespmem:s21+$0x20];
	[tilespmem:s19+$0x810 ss:$0x81] =	vst.msk $0xffff, v5  }
0x17: {  	s27 =	sshll.u32 s16, $0x1;
	v63 =	vld [tilespmem:s21+$0xFFFFFFC0];
	s28 =	sand.u32 $0x78, s16;
	s17 =	sshll.u32 s17, $0x7;
	[tilespmem:s19+$0x1020 ss:$0x81] =	vst.msk $0xffff, v58  }
0x18: {  	s29 =	sshrl.u32 s16, $0x2;
	s15 =	sshll.u32 s15, $0x8;
	s20 =	sand.u32 $0x300, s27;
	[tilespmem:s19+$0x1830 ss:$0x81] =	vst.msk $0xffff, v59  }
0x19: {  	s17 =	sand.u32 $0x80, s17;
	s30 =	sand.u32 $0x80, s29;
	s20 =	sor.u32 s28, s20;
	[tilespmem:s19+$0x2040 ss:$0x81] =	vst.msk $0xffff, v60  }
0x1a: {  	s31 =	sand.u32 $0x7, s16;
	s17 =	sor.u32 s17, s20;
	s20 =	sadd.s32 s2, s30;
	[tilespmem:s19+$0x2850 ss:$0x81] =	vst.msk $0xffff, v61  }
0x1b: {  	s16 =	sshll.u32 s31, $0x12;
	s17 =	sshrl.u32 s17, $0x3;
	s15 =	sadd.s32 s15, s20;
	[tilespmem:s19+$0x3060 ss:$0x81] =	vst.msk $0xffff, v62  }
0x1c: {  	s16 =	sor.u32 $0x80, s16;
	[tilespmem:s19+$0x0 ss:$0x81] =	vst.msk $0xffff, v63;
	s15 =	sadd.s32 s17, s15  }
0x1d: {  	[hbm4b:s15+s16] =	stream.strided.scatter [tilespmem:s18], [sflag:$0x2], $0x4000, s10, s16, $0x20;
	[tilespmem:$0x10100] =	vst v63  }
.LBB1_5:
0x1e: {  	s18 =	sadd.s32 $0x100, s11  }
0x1f: {  	s15 =	sadd.s32 $0x2, s12;
	s19 =	smov.u32 s12;
	p2 =	sgt.s32 s18, $0xFFF  }
0x20: {  	s19 =	smov.u32 @p2 s15  }
0x21: {  	s21 =	smov.u32 s13;
	s15 =	sadd.s32 $0x400, s13;
	p3 =	sgt.s32 s19, $0x1  }
0x22: {  	s21 =	smov.u32 @p3 s15  }
0x23: {  	s18 =	smov.u32 @p2 s4;
	p2 =	sgt.s32 s21, $0x3FF  }
0x24: {  	p1 =	slt.u32 s14, $0x2;
	s21 =	smov.u32 @p2 s1;
	p2 =	sne.s32 s14, s9  }
.Ltmp1:
0x25: {  	s20 =	simm.s32 @!p1 $0x2;
	(pc) =	sbr.rel @!p2 .LBB1_6-.Ltmp1, $4  }
0x26: {  	s17 =	smov.u32 s12;
	s16 =	smov.u32 s13;
	_ =	swait.ge @!p1 [sflag:s20], $0x4000  }
0x27: {  	p0 =	por !p0, !p0;
	[sflag:s20] =	ssyncset.done @!p1 $0x0;
	s19 =	smov.u32 @p3 s3  }
0x28: {  	s15 =	smov.u32 s11;
	[sflag:s20] =	ssyncadd.s32 @!p1 $0xFFFFC000;
	s11 =	smov.u32 s18  }
0x29: {  	s12 =	smov.u32 s19;
	s14 =	sadd.s32 $0x1, s14;
	s13 =	smov.u32 s21  }
.LBB1_1:
0x2a: {  	p1 =	sge.u32 s14, s7  }
0x2b: {  	s18 =	sshll.u32 @!p1 s12, $0x7  }
0x2c: {  	s19 =	sand.u32 @!p1 $0x78, s11;
	s20 =	sshll.u32 @!p1 s11, $0x1;
	s18 =	sand.u32 @!p1 $0x80, s18  }
0x2d: {  	s31 =	sadd.s32 $0xFFFFFFFF, s14;
	s20 =	sand.u32 @!p1 $0xF00, s20;
	s18 =	sor.u32 @!p1 s18, s19  }
0x2e: {  	s19 =	sshll.u32 @!p1 s13, $0xA;
	s18 =	sor.u32 @!p1 s20, s18;
	s20 =	sshrl.u32 @!p1 s11, $0x2  }
0x2f: {  	s21 =	sxor.u32 @!p1 $0xFFFFFFFF, s14;
	s19 =	sadd.s32 @!p1 s8, s19;
	s20 =	sand.u32 @!p1 $0x200, s20  }
0x30: {  	s21 =	sshll.u32 @!p1 s21, $0xE;
	s19 =	sadd.s32 @!p1 s20, s19;
	s20 =	sand.u32 @!p1 $0x7, s11  }
0x31: {  	s21 =	sand.u32 @!p1 $0x4000, s21;
	s18 =	sshrl.u32 @!p1 s18, $0x3;
	s20 =	sshll.u32 @!p1 s20, $0x12  }
0x32: {  	s18 =	sadd.s32 @!p1 s18, s19;
	s19 =	sor.u32 @!p1 $0x80, s20;
	s20 =	simm.s32 @!p1 $0x2000  }
0x33: {  	[tilespmem:s21], [sflag:$0x1] =	stream.strided.gather @!p1 [hbm4b:s18+s19], $0x4000, s20, s19, $0x38;
	[tilespmem:$0x10100] =	vst v63  }
0x34: {  	p1 =	sge.u32 s31, s7  }
.Ltmp2:
0x35: {  	_ = 	snop;
	(pc) =	sbr.rel @p1 .LBB1_5-.Ltmp2, $1  }
0x36: {  	_ =	sdelay $0x3  }
0x37: {  	s18 =	simm.s32 $0x1  }
0x38: {  	_ =	swait.ge [sflag:s6], $0x4000;
	s18 =	simm.s32 @!p0 $0x0  }
0x39: {  	[sflag:s6] =	ssyncset.done $0x0;
	s19 =	sshll.u32 s18, $0xE  }
0x3a: {  	[sflag:s6] =	ssyncadd.s32 $0xFFFFC000;
	s21 =	sor.u32 $0x40, s19  }
0x3b: {  	s18 =	smul.u32 $0x10200, s18;
	v0 =	vld [tilespmem:s21+$0x30]  }
0x3c: {  	v3 =	vld [tilespmem:s21+$0xFFFFFFD0]  }
0x3d: {  	s18 =	sshrl.u32 s18, $0x2;
	v4 =	vld [tilespmem:s21+$0xFFFFFFE0]  }
0x3e: {  	v5 =	vld [tilespmem:s21+$0xFFFFFFF0];
	s19 =	sor.u32 $0x8000, s18  }
0x3f: {  	s31 =	sand.u32 $0x1, s14;
	v1 =	vld [tilespmem:s21+$0x0];
	s20 =	sadd.s32 $0x0, s19  }
0x40: {  	v2 =	vld [tilespmem:s21+$0x10];
	s18 =	smul.u32 $0x10200, s31;
	[tilespmem:s20+$0x3870 ss:$0x81] =	vst.msk $0xffff, v0  }
0x41: {  	[tilespmem:s20+$0x810 ss:$0x81] =	vst.msk $0xffff, v3;
	v3 =	vld [tilespmem:s21+$0x20]  }
0x42: {  	s18 =	sshrl.u32 s18, $0x2;
	v0 =	vld [tilespmem:s21+$0xFFFFFFC0];
	[tilespmem:s20+$0x1020 ss:$0x81] =	vst.msk $0xffff, v4;
	s21 =	sadd.s32 $0x80, s21  }
0x43: {  	s22 =	simm.s32 $0x4;
	s23 =	simm.s32 $0x8;
	s18 =	sor.u32 $0x8000, s18;
	[tilespmem:s20+$0x1830 ss:$0x81] =	vst.msk $0xffff, v5;
	v4 =	vld [tilespmem:s21+$0x30]  }
.LBB1_3:
0x44: {  	p1 =	sne.s32 s23, $0x1FC;
	v5 =	vld [tilespmem:s21+$0xFFFFFFD0];
	[tilespmem:s20+$0x2040 ss:$0x81] =	vst.msk $0xffff, v1  }
0x45: {  	v6 =	vld [tilespmem:s21+$0xFFFFFFE0];
	[tilespmem:s20+$0x2850 ss:$0x81] =	vst.msk $0xffff, v2  }
0x46: {  	s24 =	sshra.s32 s22, $0x2;
	s22 =	smov.u32 s23;
	v7 =	vld [tilespmem:s21+$0xFFFFFFF0];
	[tilespmem:s20+$0x3060 ss:$0x81] =	vst.msk $0xffff, v3  }
.Ltmp3:
0x47: {  	v1 =	vld [tilespmem:s21+$0x0];
	[tilespmem:s20+$0x0 ss:$0x81] =	vst.msk $0xffff, v0;
	s20 =	sadd.s32 s24, s19;
	(pc) =	sbr.rel @p1 .LBB1_3-.Ltmp3, $4  }
0x48: {  	v2 =	vld [tilespmem:s21+$0x10];
	[tilespmem:s20+$0x3870 ss:$0x81] =	vst.msk $0xffff, v4  }
0x49: {  	[tilespmem:s20+$0x810 ss:$0x81] =	vst.msk $0xffff, v5;
	v3 =	vld [tilespmem:s21+$0x20]  }
0x4a: {  	v0 =	vld [tilespmem:s21+$0xFFFFFFC0];
	[tilespmem:s20+$0x1020 ss:$0x81] =	vst.msk $0xffff, v6;
	s21 =	sadd.s32 $0x80, s21  }
0x4b: {  	s23 =	sadd.s32 $0x4, s23;
	v4 =	vld [tilespmem:s21+$0x30];
	[tilespmem:s20+$0x1830 ss:$0x81] =	vst.msk $0xffff, v7  }
.Ltmp4:
0x4c: {  	_ = 	snop;
	(pc) =	sbr.rel .LBB1_4-.Ltmp4, $1  }
0x4d: {  	_ =	sdelay $0x3  }
.LBB1_6:
0x4e: {  	_ =	sfence.sel $0x180000  }
0x4f: {  	s1 =	simm.s32 $0x1;
	[bflag:$0x0] =	sbarrier.arrive $0xFFFF  }
0x50: {  	s31 =	simm.s32 $0x2;
	[sflag:s1] =	ssyncpa.u1 $0x1  }
0x51: {  	[sflag:s31] =	ssyncpa.u1 $0x1  }
0x52: {  	p0 =	sne.s32 s0, $0x0;
	_ =	strace $0x9000004D  }
0x53: {  	s0 =	sadd.s32 @!p0 $0x100000, s5;
	[bflag:$0x2] =	sbarrier.arrive $0xFFFF  }
0x54: {  	[sflag:s0] =	ssyncadd.tile.s32 @!p0 $0x1;
	_ =	shalt  }
.Lfunc_end1:
_tile_overlayer_lowered:
.L_overlay_start_2:
0x55: {  	(tag) =	ssettag $0x2  }
0x56: {  	s0 =	rddreg [dreg:$0x0];
	s2 =	stileid.u32  }
0x57: {  	s1 =	rddreg [dreg:$0x1];
	p0 =	sne.s32 s2, $0x0  }
0x58: {  	s3 =	rddreg [dreg:$0x2];
	[bflag:$0x3] =	sbarrier.arrive $0xFFFF;
	s2 =	simm.s32 @!p0 $0x1C01  }
0x59: {  	[timem:s3], [sflag:s2] =	dma.local @!p0 [hbm:s0], s1  }
0x5a: {  	s0 =	simm.s32 @!p0 $0x1  }
0x5b: {  	_ =	swait.ge @!p0 [sflag:s0], s1  }
0x5c: {  	s1 =	ssub.s32 @!p0 $0x0, s1;
	[sflag:s0] =	ssyncset.done @!p0 $0x0  }
0x5d: {  	[sflag:s0] =	ssyncadd.s32 @!p0 s1  }
0x5e: {  	[bflag:$0x3] =	sbarrier.arrive $0xFFFF  }
0x5f: {  	_ =	shalt  }

</sc_bundles>
